<compile_context>
chip_gen: v7x
topology: tpu7x:2x2x1
jax: 0.10.2.dev20260603
libtpu: 0.0.44.dev20260713+nightly
codegen_flags: <defaults>
</compile_context>

<pallas_src>
import functools

import jax
import jax.numpy as jnp
from jax import lax
from jax.experimental import pallas as pl
from jax.experimental.pallas import tpu as pltpu
from jax.experimental.pallas import tpu_sc as plsc

N = 10000
D = 128
E = 320000

NC = 2
NS = 16
NW = NC * NS
CHUNK = 128
CH = 80
EPW = CH * CHUNK
E_PAD = NW * EPW
N_PAD = 10240
ROWS_PER_TILE = N_PAD // NS
BLK = 2000

_mesh = plsc.VectorSubcoreMesh(core_axis_name="c", subcore_axis_name="s")


@functools.partial(
    pl.kernel,
    out_type=(
        jax.ShapeDtypeStruct((NW, CH, CHUNK), jnp.int32),
        jax.ShapeDtypeStruct((NW, CH, CHUNK), jnp.int32),
    ),
    mesh=_mesh,
    scratch_types=[
        pltpu.VMEM((CH, CHUNK), jnp.int32),
        pltpu.VMEM((CH, CHUNK), jnp.int32),
        pltpu.VMEM((CH, CHUNK), jnp.int32),
        pltpu.VMEM((CH, CHUNK), jnp.int32),
    ],
)
def _sc_prep(src_hbm, dst_hbm, src2_hbm, dst2_hbm, sv, dv, s2, d2):
    cid = lax.axis_index("c")
    tid = lax.axis_index("s")
    wid = cid * NS + tid

    pltpu.sync_copy(src_hbm.at[wid], sv)
    pltpu.sync_copy(dst_hbm.at[wid], dv)
    iota = lax.iota(jnp.int32, 16)

    @pl.loop(0, CH)
    def _(ci):
        @pl.loop(0, CHUNK // 16)
        def _(j):
            s16 = sv[ci, pl.ds(j * 16, 16)]
            d16 = dv[ci, pl.ds(j * 16, 16)]
            tv = iota + (N + 16 * ((ci * 8 + j) % 15))
            eq = s16 == d16
            s2[ci, pl.ds(j * 16, 16)] = jnp.where(eq, tv, s16)
            d2[ci, pl.ds(j * 16, 16)] = jnp.where(eq, tv, d16)

    pltpu.sync_copy(s2, src2_hbm.at[wid])
    pltpu.sync_copy(d2, dst2_hbm.at[wid])


@functools.partial(
    pl.kernel,
    out_type=jax.ShapeDtypeStruct((NC, N_PAD, D), jnp.float32),
    mesh=_mesh,
    scratch_types=[
        pltpu.VMEM((CH, CHUNK), jnp.int32),
        pltpu.VMEM((CH, CHUNK), jnp.int32),
        pltpu.VMEM((CHUNK, D), jnp.float32),
        pltpu.VMEM_SHARED((N_PAD, D), jnp.float32),
    ],
)
def _sc_prop(src_hbm, dst2_hbm, g_hbm, out_hbm, sv, d2, rows, acc):
    cid = lax.axis_index("c")
    tid = lax.axis_index("s")
    wid = cid * NS + tid

    @pl.loop(0, CHUNK)
    def _(i):
        @pl.loop(0, D // 16)
        def _(j):
            rows[i, pl.ds(j * 16, 16)] = jnp.zeros((16,), jnp.float32)

    @pl.loop(0, ROWS_PER_TILE // CHUNK)
    def _(k):
        pltpu.sync_copy(rows, acc.at[pl.ds(tid * ROWS_PER_TILE + k * CHUNK, CHUNK)])

    pltpu.sync_copy(src_hbm.at[wid], sv)
    pltpu.sync_copy(dst2_hbm.at[wid], d2)
    plsc.subcore_barrier()

    @pl.loop(0, CH)
    def _(ci):
        pltpu.sync_copy(g_hbm.at[sv.at[ci]], rows)
        pltpu.sync_copy(rows, acc.at[d2.at[ci]], add=True)

    plsc.subcore_barrier()
    pltpu.sync_copy(
        acc.at[pl.ds(tid * ROWS_PER_TILE, ROWS_PER_TILE)],
        out_hbm.at[cid, pl.ds(tid * ROWS_PER_TILE, ROWS_PER_TILE)],
    )


def _dis_of(deg_ref, nrows):
    deg = deg_ref[0, :nrows, 0:1] + deg_ref[1, :nrows, 0:1]
    return jnp.where(deg > 0, lax.rsqrt(jnp.where(deg > 0, deg, 1.0)), 0.0)


def _tc_scale1_body(deg_ref, x_ref, g0_ref):
    g0_ref[...] = _dis_of(deg_ref, BLK) * x_ref[...]


_tc_scale1 = pl.pallas_call(
    _tc_scale1_body,
    grid=(N // BLK,),
    in_specs=[
        pl.BlockSpec((NC, BLK, D), lambda i: (0, i, 0)),
        pl.BlockSpec((BLK, D), lambda i: (i, 0)),
    ],
    out_specs=pl.BlockSpec((BLK, D), lambda i: (i, 0)),
    out_shape=jax.ShapeDtypeStruct((N, D), jnp.float32),
)


def _tc_scale2_body(deg_ref, s1_ref, tx1_ref, g1_ref):
    dis = _dis_of(deg_ref, BLK)
    s1 = s1_ref[0] + s1_ref[1]
    tx1 = -dis * s1
    tx1_ref[...] = tx1
    g1_ref[...] = dis * tx1


_tc_scale2 = pl.pallas_call(
    _tc_scale2_body,
    grid=(N // BLK,),
    in_specs=[
        pl.BlockSpec((NC, BLK, D), lambda i: (0, i, 0)),
        pl.BlockSpec((NC, BLK, D), lambda i: (0, i, 0)),
    ],
    out_specs=[
        pl.BlockSpec((BLK, D), lambda i: (i, 0)),
        pl.BlockSpec((BLK, D), lambda i: (i, 0)),
    ],
    out_shape=[
        jax.ShapeDtypeStruct((N, D), jnp.float32),
        jax.ShapeDtypeStruct((N, D), jnp.float32),
    ],
)


def _tc_pre_body(x_ref, tx1_ref, s2_ref, deg_ref, w0_ref, w1_ref, w2_ref,
                 b_ref, pw_ref, h_ref, st_ref):
    dis = _dis_of(deg_ref, BLK)
    x = x_ref[...]
    s2 = s2_ref[0] + s2_ref[1]
    tx2 = (-2.0) * dis * s2 - x
    dot = functools.partial(
        jnp.dot, precision=lax.Precision.HIGHEST,
        preferred_element_type=jnp.float32,
    )
    h = (dot(x, w0_ref[...]) + dot(tx1_ref[...], w1_ref[...])
         + dot(tx2, w2_ref[...]) + b_ref[...])
    h = jnp.where(h >= 0.0, h, pw_ref[0, 0] * h)
    h_ref[...] = h
    st_ref[0, 0, :] = jnp.sum(h, axis=0)
    st_ref[0, 1, :] = jnp.sum(h * h, axis=0)


_tc_pre = pl.pallas_call(
    _tc_pre_body,
    grid=(N // BLK,),
    in_specs=[
        pl.BlockSpec((BLK, D), lambda i: (i, 0)),
        pl.BlockSpec((BLK, D), lambda i: (i, 0)),
        pl.BlockSpec((NC, BLK, D), lambda i: (0, i, 0)),
        pl.BlockSpec((NC, BLK, D), lambda i: (0, i, 0)),
        pl.BlockSpec((D, D), lambda i: (0, 0)),
        pl.BlockSpec((D, D), lambda i: (0, 0)),
        pl.BlockSpec((D, D), lambda i: (0, 0)),
        pl.BlockSpec((1, D), lambda i: (0, 0)),
        pl.BlockSpec((1, 1), lambda i: (0, 0)),
    ],
    out_specs=[
        pl.BlockSpec((BLK, D), lambda i: (i, 0)),
        pl.BlockSpec((1, 2, D), lambda i: (i, 0, 0)),
    ],
    out_shape=[
        jax.ShapeDtypeStruct((N, D), jnp.float32),
        jax.ShapeDtypeStruct((N // BLK, 2, D), jnp.float32),
    ],
)


def _tc_bn_body(h_ref, st_ref, bnw_ref, bnb_ref, o_ref):
    s = jnp.sum(st_ref[:, 0, :], axis=0, keepdims=True)
    s2 = jnp.sum(st_ref[:, 1, :], axis=0, keepdims=True)
    mean = s * (1.0 / N)
    var = s2 * (1.0 / N) - mean * mean
    scale = lax.rsqrt(var + 1e-5) * bnw_ref[...]
    o_ref[...] = (h_ref[...] - mean) * scale + bnb_ref[...]


_tc_bn = pl.pallas_call(
    _tc_bn_body,
    grid=(N // BLK,),
    in_specs=[
        pl.BlockSpec((BLK, D), lambda i: (i, 0)),
        pl.BlockSpec((N // BLK, 2, D), lambda i: (0, 0, 0)),
        pl.BlockSpec((1, D), lambda i: (0, 0)),
        pl.BlockSpec((1, D), lambda i: (0, 0)),
    ],
    out_specs=pl.BlockSpec((BLK, D), lambda i: (i, 0)),
    out_shape=jax.ShapeDtypeStruct((N, D), jnp.float32),
)


def kernel(x, edge_index, W0, W1, W2, bias, prelu_weight, bn_weight, bn_bias):
    src = edge_index[0]
    dst = edge_index[1]
    pad = jnp.arange(E_PAD - E, dtype=jnp.int32)
    src_p = jnp.concatenate([src, pad]).reshape(NW, CH, CHUNK)
    dst_p = jnp.concatenate([dst, pad]).reshape(NW, CH, CHUNK)

    src2, dst2 = _sc_prep(src_p, dst_p)
    ones_n = jnp.ones((N, D), jnp.float32)
    deg_parts = _sc_prop(src_p, src2, ones_n)
    g0 = _tc_scale1(deg_parts, x)
    s1_parts = _sc_prop(src_p, dst2, g0)
    tx1, g1 = _tc_scale2(deg_parts, s1_parts)
    s2_parts = _sc_prop(src_p, dst2, g1)
    h, stats = _tc_pre(
        x, tx1, s2_parts, deg_parts, W0, W1, W2,
        bias.reshape(1, D), prelu_weight.reshape(1, 1),
    )
    return _tc_bn(h, stats, bn_weight.reshape(1, D), bn_bias.reshape(1, D))

# --- scband reference (transcript-rebuilt; emitter-appended) ---
"""Pipeline reference for scband-gnmodule-36189394436505 (READ-ONLY COPY).

The authoritative reference and input builder live on the scoring server;
editing this copy changes nothing except your own understanding.
"""

import jax, jax.numpy as jnp
import numpy as np

N_NODES = 10000
D = 128
N_EDGES = 320000


def setup_inputs(seed: int = 0):
    key = jax.random.key(seed)
    ks = jax.random.split(key, 8)
    x = jax.random.normal(ks[0], (N_NODES, D), dtype=jnp.float32)
    edge_index = jax.random.randint(ks[1], (2, N_EDGES), 0, N_NODES, dtype=jnp.int32)
    W0 = jax.random.normal(ks[2], (D, D), dtype=jnp.float32) * 0.05
    W1 = jax.random.normal(ks[3], (D, D), dtype=jnp.float32) * 0.05
    W2 = jax.random.normal(ks[4], (D, D), dtype=jnp.float32) * 0.05
    bias = jnp.zeros((D,), jnp.float32)
    prelu_weight = jnp.full((1,), 0.25, jnp.float32)
    bn_weight = jnp.ones((D,), jnp.float32)
    bn_bias = jnp.zeros((D,), jnp.float32)
    return {"x": x, "edge_index": edge_index, "W0": W0, "W1": W1, "W2": W2,
            "bias": bias, "prelu_weight": prelu_weight,
            "bn_weight": bn_weight, "bn_bias": bn_bias}


def reference(x, edge_index, W0, W1, W2, bias, prelu_weight, bn_weight, bn_bias):
    # ChebConv K=3, normalization='sym', lambda_max=2.0 (PyG default)
    N = x.shape[0]
    src = edge_index[0]
    dst = edge_index[1]
    # remove_self_loops (emulated by zeroing weight of self-loop edges)
    w = jnp.where(src == dst, 0.0, 1.0).astype(x.dtype)
    # get_laplacian 'sym': deg from source index
    deg = jnp.zeros((N,), x.dtype).at[src].add(w)
    deg_safe = jnp.where(deg > 0, deg, 1.0)
    dis = jnp.where(deg > 0, jax.lax.rsqrt(deg_safe), 0.0)
    # off-diagonal Laplacian weights: -D^-1/2 A D^-1/2
    norm = -dis[src] * w * dis[dst]
    # scale 2/lambda_max = 1; diag: +1 (Laplacian I) + (-1) (add_self_loops fill=-1) = 0
    def prop(h):
        return jnp.zeros_like(h).at[dst].add(norm[:, None] * h[src])
    Tx0 = x
    Tx1 = prop(Tx0)
    Tx2 = 2.0 * prop(Tx1) - Tx0
    out = Tx0 @ W0 + Tx1 @ W1 + Tx2 @ W2 + bias
    # PReLU (single shared parameter)
    out = jnp.where(out >= 0, out, prelu_weight * out)
    # BatchNorm over node dimension (training-mode batch statistics)
    mean = out.mean(axis=0)
    var = out.var(axis=0)
    out = (out - mean) * jax.lax.rsqrt(var + 1e-5) * bn_weight + bn_bias
    return out

if __name__ == "__main__":
    import jax
    _d = setup_inputs()
    print(jax.jit(kernel)(*tuple(_d.values())))

</pallas_src>

<mosaic_0001>
#map = affine_map<(d0, d1) -> (0, 0, 0)>
#map1 = affine_map<(d0, d1) -> (0, 0)>
module attributes {stable_mosaic.version = 14 : i64} {
  func.func @_sc_prop(%arg0: i32, %arg1: i32, %arg2: memref<32x80x128xi32, #tpu.memory_space<hbm>>, %arg3: memref<32x80x128xi32, #tpu.memory_space<hbm>>, %arg4: memref<10000x128xf32, #tpu.memory_space<hbm>>, %arg5: memref<2x10240x128xf32, #tpu.memory_space<hbm>>, %arg6: memref<80x128xi32, #tpu.memory_space<vmem>>, %arg7: memref<80x128xi32, #tpu.memory_space<vmem>>, %arg8: memref<128x128xf32, #tpu.memory_space<vmem>>, %arg9: memref<10240x128xf32, #tpu.memory_space<vmem_shared>>) attributes {dimension_semantics = [#tpu.dimension_semantics<core_parallel>, #tpu.dimension_semantics<subcore_parallel>], iteration_bounds = array<i64: 2, 16>, scalar_prefetch = 0 : i64, scratch_operands = 4 : i64, tpu.core_type = #tpu.core_type<sc_vector_subcore>, window_params = [{transform_indices = #map}, {transform_indices = #map}, {transform_indices = #map1}, {transform_indices = #map}]} {
    %mul3A = arith.constant 16 : i32
    %mul3A_0 = arith.muli %arg0, %mul3A : i32
    %add3A = arith.addi %mul3A_0, %arg1 : i32
    %scan3A = arith.constant 0 : i32
    %scan3A_1 = arith.constant 128 : i32
    %scan3A_2 = arith.addi %scan3A, %scan3A_1 : i32
    %scan3A_3 = arith.constant 1 : i32
    scf.for %scan3A_20 = %scan3A to %scan3A_2 step %scan3A_3  : i32 {
      %mul3A_21 = arith.constant 1 : i32
      %mul3A_22 = arith.muli %scan3A_20, %mul3A_21 : i32
      %add3A_23 = arith.constant 0 : i32
      %add3A_24 = arith.addi %add3A_23, %mul3A_22 : i32
      %scan3A_25 = arith.constant 0 : i32
      %scan3A_26 = arith.constant 8 : i32
      %scan3A_27 = arith.addi %scan3A_25, %scan3A_26 : i32
      %scan3A_28 = arith.constant 1 : i32
      scf.for %scan3A_30 = %scan3A_25 to %scan3A_27 step %scan3A_28  : i32 {
        %mul3A_31 = arith.constant 1 : i32
        %mul3A_32 = arith.muli %scan3A_30, %mul3A_31 : i32
        %add3A_33 = arith.constant 0 : i32
        %add3A_34 = arith.addi %add3A_33, %mul3A_32 : i32
        %broadcast_in_dim3A = arith.constant 0.000000e+00 : f32
        %broadcast_in_dim3A_35 = vector.broadcast %broadcast_in_dim3A : f32 to vector<16xf32>
        %mul3A_36 = arith.constant 16 : i32
        %mul3A_37 = arith.muli %add3A_34, %mul3A_36 : i32
        %swap3A = arith.index_cast %add3A_24 : i32 to index
        %swap3A_38 = arith.index_cast %mul3A_37 : i32 to index
        %swap3A_39 = tpu.vector_load %arg8[%swap3A, %swap3A_38] {strides = array<i32>} : memref<128x128xf32, #tpu.memory_space<vmem>>, vector<1x16xf32>,
        %swap3A_40 = vector.shape_cast %swap3A_39 : vector<1x16xf32> to vector<16xf32>
        %swap3A_41 = vector.shape_cast %broadcast_in_dim3A_35 : vector<16xf32> to vector<1x16xf32>
        tpu.vector_store %arg8[%swap3A, %swap3A_38], %swap3A_41 {strides = array<i32>} : memref<128x128xf32, #tpu.memory_space<vmem>>, vector<1x16xf32>,
      }
      %scan3A_29 = arith.constant 8 : i32
    }
    %scan3A_4 = arith.constant 128 : i32
    %scan3A_5 = arith.constant 0 : i32
    %scan3A_6 = arith.constant 5 : i32
    %scan3A_7 = arith.addi %scan3A_5, %scan3A_6 : i32
    %scan3A_8 = arith.constant 1 : i32
    scf.for %scan3A_20 = %scan3A_5 to %scan3A_7 step %scan3A_8  : i32 {
      %mul3A_21 = arith.constant 1 : i32
      %mul3A_22 = arith.muli %scan3A_20, %mul3A_21 : i32
      %add3A_23 = arith.constant 0 : i32
      %add3A_24 = arith.addi %add3A_23, %mul3A_22 : i32
      %mul3A_25 = arith.constant 640 : i32
      %mul3A_26 = arith.muli %arg1, %mul3A_25 : i32
      %mul3A_27 = arith.constant 128 : i32
      %mul3A_28 = arith.muli %add3A_24, %mul3A_27 : i32
      %add3A_29 = arith.addi %mul3A_26, %mul3A_28 : i32
      "tpu.region"() ({
        %run_scoped3A = tpu.sem_alloc : memref<!tpu.dma_semaphore, #tpu.memory_space<semaphore_mem>>
        %dma_start3A = arith.constant 0 : i32
        %dma_start3A_30 = tpu.memref_slice %arg9[%add3A_29, %dma_start3A] : memref<10240x128xf32, #tpu.memory_space<vmem_shared>> -> memref<128x128xf32, #tpu.memory_space<vmem_shared>>
        %dma_start3A_31 = arith.constant 0 : i32
        %dma_start3A_32 = tpu.memref_slice %arg9[%add3A_29, %dma_start3A_31] : memref<10240x128xf32, #tpu.memory_space<vmem_shared>> -> memref<128x128xf32, #tpu.memory_space<vmem_shared>>
        tpu.enqueue_dma source(%arg8 : memref<128x128xf32, #tpu.memory_space<vmem>>) target(%dma_start3A_32 : memref<128x128xf32, #tpu.memory_space<vmem_shared>>) target_semaphore(%run_scoped3A : memref<!tpu.dma_semaphore, #tpu.memory_space<semaphore_mem>>)
        %dma_wait3A = arith.constant 0 : i32
        %dma_wait3A_33 = tpu.memref_slice %arg9[%add3A_29, %dma_wait3A] : memref<10240x128xf32, #tpu.memory_space<vmem_shared>> -> memref<128x128xf32, #tpu.memory_space<vmem_shared>>
        %dma_wait3A_34 = arith.constant 0 : i32
        %dma_wait3A_35 = tpu.memref_slice %arg9[%add3A_29, %dma_wait3A_34] : memref<10240x128xf32, #tpu.memory_space<vmem_shared>> -> memref<128x128xf32, #tpu.memory_space<vmem_shared>>
        tpu.wait_dma2 semaphore(%run_scoped3A : memref<!tpu.dma_semaphore, #tpu.memory_space<semaphore_mem>>) src(%arg8 : memref<128x128xf32, #tpu.memory_space<vmem>>) dst(%dma_wait3A_35 : memref<128x128xf32, #tpu.memory_space<vmem_shared>>)
        tpu.yield
      }) : () -> ()
    }
    %scan3A_9 = arith.constant 5 : i32
    "tpu.region"() ({
      %run_scoped3A = tpu.sem_alloc : memref<!tpu.dma_semaphore, #tpu.memory_space<semaphore_mem>>
      %dma_start3A = arith.constant 0 : i32
      %dma_start3A_20 = arith.constant 0 : i32
      %dma_start3A_21 = tpu.memref_slice %arg2[%add3A, %dma_start3A, %dma_start3A_20] : memref<32x80x128xi32, #tpu.memory_space<hbm>> -> memref<1x80x128xi32, #tpu.memory_space<hbm>>
      %dma_start3A_22 = tpu.memref_squeeze %dma_start3A_21 : memref<1x80x128xi32, #tpu.memory_space<hbm>> -> memref<80x128xi32, #tpu.memory_space<hbm>>
      %dma_start3A_23 = arith.constant 0 : i32
      %dma_start3A_24 = arith.constant 0 : i32
      %dma_start3A_25 = tpu.memref_slice %arg2[%add3A, %dma_start3A_23, %dma_start3A_24] : memref<32x80x128xi32, #tpu.memory_space<hbm>> -> memref<1x80x128xi32, #tpu.memory_space<hbm>>
      %dma_start3A_26 = tpu.memref_squeeze %dma_start3A_25 : memref<1x80x128xi32, #tpu.memory_space<hbm>> -> memref<80x128xi32, #tpu.memory_space<hbm>>
      tpu.enqueue_dma source(%dma_start3A_26 : memref<80x128xi32, #tpu.memory_space<hbm>>) target(%arg6 : memref<80x128xi32, #tpu.memory_space<vmem>>) target_semaphore(%run_scoped3A : memref<!tpu.dma_semaphore, #tpu.memory_space<semaphore_mem>>)
      %dma_wait3A = arith.constant 0 : i32
      %dma_wait3A_27 = arith.constant 0 : i32
      %dma_wait3A_28 = tpu.memref_slice %arg2[%add3A, %dma_wait3A, %dma_wait3A_27] : memref<32x80x128xi32, #tpu.memory_space<hbm>> -> memref<1x80x128xi32, #tpu.memory_space<hbm>>
      %dma_wait3A_29 = tpu.memref_squeeze %dma_wait3A_28 : memref<1x80x128xi32, #tpu.memory_space<hbm>> -> memref<80x128xi32, #tpu.memory_space<hbm>>
      %dma_wait3A_30 = arith.constant 0 : i32
      %dma_wait3A_31 = arith.constant 0 : i32
      %dma_wait3A_32 = tpu.memref_slice %arg2[%add3A, %dma_wait3A_30, %dma_wait3A_31] : memref<32x80x128xi32, #tpu.memory_space<hbm>> -> memref<1x80x128xi32, #tpu.memory_space<hbm>>
      %dma_wait3A_33 = tpu.memref_squeeze %dma_wait3A_32 : memref<1x80x128xi32, #tpu.memory_space<hbm>> -> memref<80x128xi32, #tpu.memory_space<hbm>>
      tpu.wait_dma2 semaphore(%run_scoped3A : memref<!tpu.dma_semaphore, #tpu.memory_space<semaphore_mem>>) src(%dma_wait3A_33 : memref<80x128xi32, #tpu.memory_space<hbm>>) dst(%arg6 : memref<80x128xi32, #tpu.memory_space<vmem>>)
      tpu.yield
    }) : () -> ()
    "tpu.region"() ({
      %run_scoped3A = tpu.sem_alloc : memref<!tpu.dma_semaphore, #tpu.memory_space<semaphore_mem>>
      %dma_start3A = arith.constant 0 : i32
      %dma_start3A_20 = arith.constant 0 : i32
      %dma_start3A_21 = tpu.memref_slice %arg3[%add3A, %dma_start3A, %dma_start3A_20] : memref<32x80x128xi32, #tpu.memory_space<hbm>> -> memref<1x80x128xi32, #tpu.memory_space<hbm>>
      %dma_start3A_22 = tpu.memref_squeeze %dma_start3A_21 : memref<1x80x128xi32, #tpu.memory_space<hbm>> -> memref<80x128xi32, #tpu.memory_space<hbm>>
      %dma_start3A_23 = arith.constant 0 : i32
      %dma_start3A_24 = arith.constant 0 : i32
      %dma_start3A_25 = tpu.memref_slice %arg3[%add3A, %dma_start3A_23, %dma_start3A_24] : memref<32x80x128xi32, #tpu.memory_space<hbm>> -> memref<1x80x128xi32, #tpu.memory_space<hbm>>
      %dma_start3A_26 = tpu.memref_squeeze %dma_start3A_25 : memref<1x80x128xi32, #tpu.memory_space<hbm>> -> memref<80x128xi32, #tpu.memory_space<hbm>>
      tpu.enqueue_dma source(%dma_start3A_26 : memref<80x128xi32, #tpu.memory_space<hbm>>) target(%arg7 : memref<80x128xi32, #tpu.memory_space<vmem>>) target_semaphore(%run_scoped3A : memref<!tpu.dma_semaphore, #tpu.memory_space<semaphore_mem>>)
      %dma_wait3A = arith.constant 0 : i32
      %dma_wait3A_27 = arith.constant 0 : i32
      %dma_wait3A_28 = tpu.memref_slice %arg3[%add3A, %dma_wait3A, %dma_wait3A_27] : memref<32x80x128xi32, #tpu.memory_space<hbm>> -> memref<1x80x128xi32, #tpu.memory_space<hbm>>
      %dma_wait3A_29 = tpu.memref_squeeze %dma_wait3A_28 : memref<1x80x128xi32, #tpu.memory_space<hbm>> -> memref<80x128xi32, #tpu.memory_space<hbm>>
      %dma_wait3A_30 = arith.constant 0 : i32
      %dma_wait3A_31 = arith.constant 0 : i32
      %dma_wait3A_32 = tpu.memref_slice %arg3[%add3A, %dma_wait3A_30, %dma_wait3A_31] : memref<32x80x128xi32, #tpu.memory_space<hbm>> -> memref<1x80x128xi32, #tpu.memory_space<hbm>>
      %dma_wait3A_33 = tpu.memref_squeeze %dma_wait3A_32 : memref<1x80x128xi32, #tpu.memory_space<hbm>> -> memref<80x128xi32, #tpu.memory_space<hbm>>
      tpu.wait_dma2 semaphore(%run_scoped3A : memref<!tpu.dma_semaphore, #tpu.memory_space<semaphore_mem>>) src(%dma_wait3A_33 : memref<80x128xi32, #tpu.memory_space<hbm>>) dst(%arg7 : memref<80x128xi32, #tpu.memory_space<vmem>>)
      tpu.yield
    }) : () -> ()
    %barrier3A = arith.constant 0 : index
    tpu.barrier barrier_id(%barrier3A)
    %scan3A_10 = arith.constant 0 : i32
    %scan3A_11 = arith.constant 80 : i32
    %scan3A_12 = arith.addi %scan3A_10, %scan3A_11 : i32
    %scan3A_13 = arith.constant 1 : i32
    scf.for %scan3A_20 = %scan3A_10 to %scan3A_12 step %scan3A_13  : i32 {
      %mul3A_21 = arith.constant 1 : i32
      %mul3A_22 = arith.muli %scan3A_20, %mul3A_21 : i32
      %add3A_23 = arith.constant 0 : i32
      %add3A_24 = arith.addi %add3A_23, %mul3A_22 : i32
      "tpu.region"() ({
        %run_scoped3A = tpu.sem_alloc : memref<!tpu.dma_semaphore, #tpu.memory_space<semaphore_mem>>
        %dma_start3A = arith.constant 0 : i32
        %dma_start3A_25 = tpu.memref_slice %arg6[%add3A_24, %dma_start3A] : memref<80x128xi32, #tpu.memory_space<vmem>> -> memref<1x128xi32, #tpu.memory_space<vmem>>
        %dma_start3A_26 = tpu.memref_squeeze %dma_start3A_25 : memref<1x128xi32, #tpu.memory_space<vmem>> -> memref<128xi32, #tpu.memory_space<vmem>>
        %dma_start3A_27 = arith.constant 0 : i32
        %dma_start3A_28 = arith.constant 0 : i32
        %dma_start3A_29 = tpu.memref_slice %arg4[%dma_start3A_27, %dma_start3A_28] : memref<10000x128xf32, #tpu.memory_space<hbm>> -> memref<10000x128xf32, #tpu.memory_space<hbm>>
        tpu.enqueue_indirect_dma source(%dma_start3A_29 : memref<10000x128xf32, #tpu.memory_space<hbm>>) target(%arg8 : memref<128x128xf32, #tpu.memory_space<vmem>>) offsets(%dma_start3A_26 : memref<128xi32, #tpu.memory_space<vmem>>) semaphore(%run_scoped3A : memref<!tpu.dma_semaphore, #tpu.memory_space<semaphore_mem>>)
        %dma_wait3A = arith.constant 0 : i32
        %dma_wait3A_30 = tpu.memref_slice %arg6[%add3A_24, %dma_wait3A] : memref<80x128xi32, #tpu.memory_space<vmem>> -> memref<1x128xi32, #tpu.memory_space<vmem>>
        %dma_wait3A_31 = tpu.memref_squeeze %dma_wait3A_30 : memref<1x128xi32, #tpu.memory_space<vmem>> -> memref<128xi32, #tpu.memory_space<vmem>>
        %dma_wait3A_32 = arith.constant 0 : i32
        %dma_wait3A_33 = arith.constant 0 : i32
        %dma_wait3A_34 = tpu.memref_slice %arg4[%dma_wait3A_32, %dma_wait3A_33] : memref<10000x128xf32, #tpu.memory_space<hbm>> -> memref<10000x128xf32, #tpu.memory_space<hbm>>
        tpu.wait_indirect_dma semaphore(%run_scoped3A : memref<!tpu.dma_semaphore, #tpu.memory_space<semaphore_mem>>) src(%dma_wait3A_34 : memref<10000x128xf32, #tpu.memory_space<hbm>>) dst(%arg8 : memref<128x128xf32, #tpu.memory_space<vmem>>)
        tpu.yield
      }) : () -> ()
      "tpu.region"() ({
        %run_scoped3A = tpu.sem_alloc : memref<!tpu.dma_semaphore, #tpu.memory_space<semaphore_mem>>
        %dma_start3A = arith.constant 0 : i32
        %dma_start3A_25 = tpu.memref_slice %arg7[%add3A_24, %dma_start3A] : memref<80x128xi32, #tpu.memory_space<vmem>> -> memref<1x128xi32, #tpu.memory_space<vmem>>
        %dma_start3A_26 = tpu.memref_squeeze %dma_start3A_25 : memref<1x128xi32, #tpu.memory_space<vmem>> -> memref<128xi32, #tpu.memory_space<vmem>>
        %dma_start3A_27 = arith.constant 0 : i32
        %dma_start3A_28 = arith.constant 0 : i32
        %dma_start3A_29 = tpu.memref_slice %arg9[%dma_start3A_27, %dma_start3A_28] : memref<10240x128xf32, #tpu.memory_space<vmem_shared>> -> memref<10240x128xf32, #tpu.memory_space<vmem_shared>>
        tpu.enqueue_indirect_dma source(%arg8 : memref<128x128xf32, #tpu.memory_space<vmem>>) target(%dma_start3A_29 : memref<10240x128xf32, #tpu.memory_space<vmem_shared>>) offsets(%dma_start3A_26 : memref<128xi32, #tpu.memory_space<vmem>>) semaphore(%run_scoped3A : memref<!tpu.dma_semaphore, #tpu.memory_space<semaphore_mem>>) {add = true}
        %dma_wait3A = arith.constant 0 : i32
        %dma_wait3A_30 = tpu.memref_slice %arg7[%add3A_24, %dma_wait3A] : memref<80x128xi32, #tpu.memory_space<vmem>> -> memref<1x128xi32, #tpu.memory_space<vmem>>
        %dma_wait3A_31 = tpu.memref_squeeze %dma_wait3A_30 : memref<1x128xi32, #tpu.memory_space<vmem>> -> memref<128xi32, #tpu.memory_space<vmem>>
        %dma_wait3A_32 = arith.constant 0 : i32
        %dma_wait3A_33 = arith.constant 0 : i32
        %dma_wait3A_34 = tpu.memref_slice %arg9[%dma_wait3A_32, %dma_wait3A_33] : memref<10240x128xf32, #tpu.memory_space<vmem_shared>> -> memref<10240x128xf32, #tpu.memory_space<vmem_shared>>
        tpu.wait_indirect_dma semaphore(%run_scoped3A : memref<!tpu.dma_semaphore, #tpu.memory_space<semaphore_mem>>) src(%arg8 : memref<128x128xf32, #tpu.memory_space<vmem>>) dst(%dma_wait3A_34 : memref<10240x128xf32, #tpu.memory_space<vmem_shared>>)
        tpu.yield
      }) : () -> ()
    }
    %scan3A_14 = arith.constant 80 : i32
    %barrier3A_15 = arith.constant 0 : index
    tpu.barrier barrier_id(%barrier3A_15)
    %mul3A_16 = arith.constant 640 : i32
    %mul3A_17 = arith.muli %arg1, %mul3A_16 : i32
    %mul3A_18 = arith.constant 640 : i32
    %mul3A_19 = arith.muli %arg1, %mul3A_18 : i32
    "tpu.region"() ({
      %run_scoped3A = tpu.sem_alloc : memref<!tpu.dma_semaphore, #tpu.memory_space<semaphore_mem>>
      %dma_start3A = arith.constant 0 : i32
      %dma_start3A_20 = tpu.memref_slice %arg5[%arg0, %mul3A_19, %dma_start3A] : memref<2x10240x128xf32, #tpu.memory_space<hbm>> -> memref<1x640x128xf32, #tpu.memory_space<hbm>>
      %dma_start3A_21 = tpu.memref_squeeze %dma_start3A_20 : memref<1x640x128xf32, #tpu.memory_space<hbm>> -> memref<640x128xf32, #tpu.memory_space<hbm>>
      %dma_start3A_22 = arith.constant 0 : i32
      %dma_start3A_23 = tpu.memref_slice %arg9[%mul3A_17, %dma_start3A_22] : memref<10240x128xf32, #tpu.memory_space<vmem_shared>> -> memref<640x128xf32, #tpu.memory_space<vmem_shared>>
      tpu.enqueue_dma source(%dma_start3A_23 : memref<640x128xf32, #tpu.memory_space<vmem_shared>>) target(%dma_start3A_21 : memref<640x128xf32, #tpu.memory_space<hbm>>) target_semaphore(%run_scoped3A : memref<!tpu.dma_semaphore, #tpu.memory_space<semaphore_mem>>)
      %dma_wait3A = arith.constant 0 : i32
      %dma_wait3A_24 = tpu.memref_slice %arg5[%arg0, %mul3A_19, %dma_wait3A] : memref<2x10240x128xf32, #tpu.memory_space<hbm>> -> memref<1x640x128xf32, #tpu.memory_space<hbm>>
      %dma_wait3A_25 = tpu.memref_squeeze %dma_wait3A_24 : memref<1x640x128xf32, #tpu.memory_space<hbm>> -> memref<640x128xf32, #tpu.memory_space<hbm>>
      %dma_wait3A_26 = arith.constant 0 : i32
      %dma_wait3A_27 = tpu.memref_slice %arg9[%mul3A_17, %dma_wait3A_26] : memref<10240x128xf32, #tpu.memory_space<vmem_shared>> -> memref<640x128xf32, #tpu.memory_space<vmem_shared>>
      tpu.wait_dma2 semaphore(%run_scoped3A : memref<!tpu.dma_semaphore, #tpu.memory_space<semaphore_mem>>) src(%dma_wait3A_27 : memref<640x128xf32, #tpu.memory_space<vmem_shared>>) dst(%dma_wait3A_25 : memref<640x128xf32, #tpu.memory_space<hbm>>)
      tpu.yield
    }) : () -> ()
    return
  }
}

#map = affine_map<(d0, d1) -> (0, 0, 0)>
#map1 = affine_map<(d0, d1) -> (0, 0)>
module attributes {stable_mosaic.version = 14 : i64} {
  func.func @_sc_prop(%arg0: i32, %arg1: i32, %arg2: memref<32x80x128xi32, #tpu.memory_space<hbm>>, %arg3: memref<32x80x128xi32, #tpu.memory_space<hbm>>, %arg4: memref<10000x128xf32, #tpu.memory_space<hbm>>, %arg5: memref<2x10240x128xf32, #tpu.memory_space<hbm>>, %arg6: memref<80x128xi32, #tpu.memory_space<vmem>>, %arg7: memref<80x128xi32, #tpu.memory_space<vmem>>, %arg8: memref<128x128xf32, #tpu.memory_space<vmem>>, %arg9: memref<10240x128xf32, #tpu.memory_space<vmem_shared>>) attributes {dimension_semantics = [#tpu.dimension_semantics<core_parallel>, #tpu.dimension_semantics<subcore_parallel>], iteration_bounds = array<i64: 2, 16>, scalar_prefetch = 0 : i64, scratch_operands = 4 : i64, tpu.core_type = #tpu.core_type<sc_vector_subcore>, window_params = [{transform_indices = #map}, {transform_indices = #map}, {transform_indices = #map1}, {transform_indices = #map}]} {
    %mul3A = arith.constant 16 : i32
    %mul3A_0 = arith.muli %arg0, %mul3A : i32
    %add3A = arith.addi %mul3A_0, %arg1 : i32
    %scan3A = arith.constant 0 : i32
    %scan3A_1 = arith.constant 128 : i32
    %scan3A_2 = arith.addi %scan3A, %scan3A_1 : i32
    %scan3A_3 = arith.constant 1 : i32
    scf.for %scan3A_20 = %scan3A to %scan3A_2 step %scan3A_3  : i32 {
      %mul3A_21 = arith.constant 1 : i32
      %mul3A_22 = arith.muli %scan3A_20, %mul3A_21 : i32
      %add3A_23 = arith.constant 0 : i32
      %add3A_24 = arith.addi %add3A_23, %mul3A_22 : i32
      %scan3A_25 = arith.constant 0 : i32
      %scan3A_26 = arith.constant 8 : i32
      %scan3A_27 = arith.addi %scan3A_25, %scan3A_26 : i32
      %scan3A_28 = arith.constant 1 : i32
      scf.for %scan3A_30 = %scan3A_25 to %scan3A_27 step %scan3A_28  : i32 {
        %mul3A_31 = arith.constant 1 : i32
        %mul3A_32 = arith.muli %scan3A_30, %mul3A_31 : i32
        %add3A_33 = arith.constant 0 : i32
        %add3A_34 = arith.addi %add3A_33, %mul3A_32 : i32
        %broadcast_in_dim3A = arith.constant 0.000000e+00 : f32
        %broadcast_in_dim3A_35 = vector.broadcast %broadcast_in_dim3A : f32 to vector<16xf32>
        %mul3A_36 = arith.constant 16 : i32
        %mul3A_37 = arith.muli %add3A_34, %mul3A_36 : i32
        %swap3A = arith.index_cast %add3A_24 : i32 to index
        %swap3A_38 = arith.index_cast %mul3A_37 : i32 to index
        %swap3A_39 = tpu.vector_load %arg8[%swap3A, %swap3A_38] {strides = array<i32>} : memref<128x128xf32, #tpu.memory_space<vmem>>, vector<1x16xf32>,
        %swap3A_40 = vector.shape_cast %swap3A_39 : vector<1x16xf32> to vector<16xf32>
        %swap3A_41 = vector.shape_cast %broadcast_in_dim3A_35 : vector<16xf32> to vector<1x16xf32>
        tpu.vector_store %arg8[%swap3A, %swap3A_38], %swap3A_41 {strides = array<i32>} : memref<128x128xf32, #tpu.memory_space<vmem>>, vector<1x16xf32>,
      }
      %scan3A_29 = arith.constant 8 : i32
    }
    %scan3A_4 = arith.constant 128 : i32
    %scan3A_5 = arith.constant 0 : i32
    %scan3A_6 = arith.constant 5 : i32
    %scan3A_7 = arith.addi %scan3A_5, %scan3A_6 : i32
    %scan3A_8 = arith.constant 1 : i32
    scf.for %scan3A_20 = %scan3A_5 to %scan3A_7 step %scan3A_8  : i32 {
      %mul3A_21 = arith.constant 1 : i32
      %mul3A_22 = arith.muli %scan3A_20, %mul3A_21 : i32
      %add3A_23 = arith.constant 0 : i32
      %add3A_24 = arith.addi %add3A_23, %mul3A_22 : i32
      %mul3A_25 = arith.constant 640 : i32
      %mul3A_26 = arith.muli %arg1, %mul3A_25 : i32
      %mul3A_27 = arith.constant 128 : i32
      %mul3A_28 = arith.muli %add3A_24, %mul3A_27 : i32
      %add3A_29 = arith.addi %mul3A_26, %mul3A_28 : i32
      "tpu.region"() ({
        %run_scoped3A = tpu.sem_alloc : memref<!tpu.dma_semaphore, #tpu.memory_space<semaphore_mem>>
        %dma_start3A = arith.constant 0 : i32
        %dma_start3A_30 = tpu.memref_slice %arg9[%add3A_29, %dma_start3A] : memref<10240x128xf32, #tpu.memory_space<vmem_shared>> -> memref<128x128xf32, #tpu.memory_space<vmem_shared>>
        %dma_start3A_31 = arith.constant 0 : i32
        %dma_start3A_32 = tpu.memref_slice %arg9[%add3A_29, %dma_start3A_31] : memref<10240x128xf32, #tpu.memory_space<vmem_shared>> -> memref<128x128xf32, #tpu.memory_space<vmem_shared>>
        tpu.enqueue_dma source(%arg8 : memref<128x128xf32, #tpu.memory_space<vmem>>) target(%dma_start3A_32 : memref<128x128xf32, #tpu.memory_space<vmem_shared>>) target_semaphore(%run_scoped3A : memref<!tpu.dma_semaphore, #tpu.memory_space<semaphore_mem>>)
        %dma_wait3A = arith.constant 0 : i32
        %dma_wait3A_33 = tpu.memref_slice %arg9[%add3A_29, %dma_wait3A] : memref<10240x128xf32, #tpu.memory_space<vmem_shared>> -> memref<128x128xf32, #tpu.memory_space<vmem_shared>>
        %dma_wait3A_34 = arith.constant 0 : i32
        %dma_wait3A_35 = tpu.memref_slice %arg9[%add3A_29, %dma_wait3A_34] : memref<10240x128xf32, #tpu.memory_space<vmem_shared>> -> memref<128x128xf32, #tpu.memory_space<vmem_shared>>
        tpu.wait_dma2 semaphore(%run_scoped3A : memref<!tpu.dma_semaphore, #tpu.memory_space<semaphore_mem>>) src(%arg8 : memref<128x128xf32, #tpu.memory_space<vmem>>) dst(%dma_wait3A_35 : memref<128x128xf32, #tpu.memory_space<vmem_shared>>)
        tpu.yield
      }) : () -> ()
    }
    %scan3A_9 = arith.constant 5 : i32
    "tpu.region"() ({
      %run_scoped3A = tpu.sem_alloc : memref<!tpu.dma_semaphore, #tpu.memory_space<semaphore_mem>>
      %dma_start3A = arith.constant 0 : i32
      %dma_start3A_20 = arith.constant 0 : i32
      %dma_start3A_21 = tpu.memref_slice %arg2[%add3A, %dma_start3A, %dma_start3A_20] : memref<32x80x128xi32, #tpu.memory_space<hbm>> -> memref<1x80x128xi32, #tpu.memory_space<hbm>>
      %dma_start3A_22 = tpu.memref_squeeze %dma_start3A_21 : memref<1x80x128xi32, #tpu.memory_space<hbm>> -> memref<80x128xi32, #tpu.memory_space<hbm>>
      %dma_start3A_23 = arith.constant 0 : i32
      %dma_start3A_24 = arith.constant 0 : i32
      %dma_start3A_25 = tpu.memref_slice %arg2[%add3A, %dma_start3A_23, %dma_start3A_24] : memref<32x80x128xi32, #tpu.memory_space<hbm>> -> memref<1x80x128xi32, #tpu.memory_space<hbm>>
      %dma_start3A_26 = tpu.memref_squeeze %dma_start3A_25 : memref<1x80x128xi32, #tpu.memory_space<hbm>> -> memref<80x128xi32, #tpu.memory_space<hbm>>
      tpu.enqueue_dma source(%dma_start3A_26 : memref<80x128xi32, #tpu.memory_space<hbm>>) target(%arg6 : memref<80x128xi32, #tpu.memory_space<vmem>>) target_semaphore(%run_scoped3A : memref<!tpu.dma_semaphore, #tpu.memory_space<semaphore_mem>>)
      %dma_wait3A = arith.constant 0 : i32
      %dma_wait3A_27 = arith.constant 0 : i32
      %dma_wait3A_28 = tpu.memref_slice %arg2[%add3A, %dma_wait3A, %dma_wait3A_27] : memref<32x80x128xi32, #tpu.memory_space<hbm>> -> memref<1x80x128xi32, #tpu.memory_space<hbm>>
      %dma_wait3A_29 = tpu.memref_squeeze %dma_wait3A_28 : memref<1x80x128xi32, #tpu.memory_space<hbm>> -> memref<80x128xi32, #tpu.memory_space<hbm>>
      %dma_wait3A_30 = arith.constant 0 : i32
      %dma_wait3A_31 = arith.constant 0 : i32
      %dma_wait3A_32 = tpu.memref_slice %arg2[%add3A, %dma_wait3A_30, %dma_wait3A_31] : memref<32x80x128xi32, #tpu.memory_space<hbm>> -> memref<1x80x128xi32, #tpu.memory_space<hbm>>
      %dma_wait3A_33 = tpu.memref_squeeze %dma_wait3A_32 : memref<1x80x128xi32, #tpu.memory_space<hbm>> -> memref<80x128xi32, #tpu.memory_space<hbm>>
      tpu.wait_dma2 semaphore(%run_scoped3A : memref<!tpu.dma_semaphore, #tpu.memory_space<semaphore_mem>>) src(%dma_wait3A_33 : memref<80x128xi32, #tpu.memory_space<hbm>>) dst(%arg6 : memref<80x128xi32, #tpu.memory_space<vmem>>)
      tpu.yield
    }) : () -> ()
    "tpu.region"() ({
      %run_scoped3A = tpu.sem_alloc : memref<!tpu.dma_semaphore, #tpu.memory_space<semaphore_mem>>
      %dma_start3A = arith.constant 0 : i32
      %dma_start3A_20 = arith.constant 0 : i32
      %dma_start3A_21 = tpu.memref_slice %arg3[%add3A, %dma_start3A, %dma_start3A_20] : memref<32x80x128xi32, #tpu.memory_space<hbm>> -> memref<1x80x128xi32, #tpu.memory_space<hbm>>
      %dma_start3A_22 = tpu.memref_squeeze %dma_start3A_21 : memref<1x80x128xi32, #tpu.memory_space<hbm>> -> memref<80x128xi32, #tpu.memory_space<hbm>>
      %dma_start3A_23 = arith.constant 0 : i32
      %dma_start3A_24 = arith.constant 0 : i32
      %dma_start3A_25 = tpu.memref_slice %arg3[%add3A, %dma_start3A_23, %dma_start3A_24] : memref<32x80x128xi32, #tpu.memory_space<hbm>> -> memref<1x80x128xi32, #tpu.memory_space<hbm>>
      %dma_start3A_26 = tpu.memref_squeeze %dma_start3A_25 : memref<1x80x128xi32, #tpu.memory_space<hbm>> -> memref<80x128xi32, #tpu.memory_space<hbm>>
      tpu.enqueue_dma source(%dma_start3A_26 : memref<80x128xi32, #tpu.memory_space<hbm>>) target(%arg7 : memref<80x128xi32, #tpu.memory_space<vmem>>) target_semaphore(%run_scoped3A : memref<!tpu.dma_semaphore, #tpu.memory_space<semaphore_mem>>)
      %dma_wait3A = arith.constant 0 : i32
      %dma_wait3A_27 = arith.constant 0 : i32
      %dma_wait3A_28 = tpu.memref_slice %arg3[%add3A, %dma_wait3A, %dma_wait3A_27] : memref<32x80x128xi32, #tpu.memory_space<hbm>> -> memref<1x80x128xi32, #tpu.memory_space<hbm>>
      %dma_wait3A_29 = tpu.memref_squeeze %dma_wait3A_28 : memref<1x80x128xi32, #tpu.memory_space<hbm>> -> memref<80x128xi32, #tpu.memory_space<hbm>>
      %dma_wait3A_30 = arith.constant 0 : i32
      %dma_wait3A_31 = arith.constant 0 : i32
      %dma_wait3A_32 = tpu.memref_slice %arg3[%add3A, %dma_wait3A_30, %dma_wait3A_31] : memref<32x80x128xi32, #tpu.memory_space<hbm>> -> memref<1x80x128xi32, #tpu.memory_space<hbm>>
      %dma_wait3A_33 = tpu.memref_squeeze %dma_wait3A_32 : memref<1x80x128xi32, #tpu.memory_space<hbm>> -> memref<80x128xi32, #tpu.memory_space<hbm>>
      tpu.wait_dma2 semaphore(%run_scoped3A : memref<!tpu.dma_semaphore, #tpu.memory_space<semaphore_mem>>) src(%dma_wait3A_33 : memref<80x128xi32, #tpu.memory_space<hbm>>) dst(%arg7 : memref<80x128xi32, #tpu.memory_space<vmem>>)
      tpu.yield
    }) : () -> ()
    %barrier3A = arith.constant 0 : index
    tpu.barrier barrier_id(%barrier3A)
    %scan3A_10 = arith.constant 0 : i32
    %scan3A_11 = arith.constant 80 : i32
    %scan3A_12 = arith.addi %scan3A_10, %scan3A_11 : i32
    %scan3A_13 = arith.constant 1 : i32
    scf.for %scan3A_20 = %scan3A_10 to %scan3A_12 step %scan3A_13  : i32 {
      %mul3A_21 = arith.constant 1 : i32
      %mul3A_22 = arith.muli %scan3A_20, %mul3A_21 : i32
      %add3A_23 = arith.constant 0 : i32
      %add3A_24 = arith.addi %add3A_23, %mul3A_22 : i32
      "tpu.region"() ({
        %run_scoped3A = tpu.sem_alloc : memref<!tpu.dma_semaphore, #tpu.memory_space<semaphore_mem>>
        %dma_start3A = arith.constant 0 : i32
        %dma_start3A_25 = tpu.memref_slice %arg6[%add3A_24, %dma_start3A] : memref<80x128xi32, #tpu.memory_space<vmem>> -> memref<1x128xi32, #tpu.memory_space<vmem>>
        %dma_start3A_26 = tpu.memref_squeeze %dma_start3A_25 : memref<1x128xi32, #tpu.memory_space<vmem>> -> memref<128xi32, #tpu.memory_space<vmem>>
        %dma_start3A_27 = arith.constant 0 : i32
        %dma_start3A_28 = arith.constant 0 : i32
        %dma_start3A_29 = tpu.memref_slice %arg4[%dma_start3A_27, %dma_start3A_28] : memref<10000x128xf32, #tpu.memory_space<hbm>> -> memref<10000x128xf32, #tpu.memory_space<hbm>>
        tpu.enqueue_indirect_dma source(%dma_start3A_29 : memref<10000x128xf32, #tpu.memory_space<hbm>>) target(%arg8 : memref<128x128xf32, #tpu.memory_space<vmem>>) offsets(%dma_start3A_26 : memref<128xi32, #tpu.memory_space<vmem>>) semaphore(%run_scoped3A : memref<!tpu.dma_semaphore, #tpu.memory_space<semaphore_mem>>)
        %dma_wait3A = arith.constant 0 : i32
        %dma_wait3A_30 = tpu.memref_slice %arg6[%add3A_24, %dma_wait3A] : memref<80x128xi32, #tpu.memory_space<vmem>> -> memref<1x128xi32, #tpu.memory_space<vmem>>
        %dma_wait3A_31 = tpu.memref_squeeze %dma_wait3A_30 : memref<1x128xi32, #tpu.memory_space<vmem>> -> memref<128xi32, #tpu.memory_space<vmem>>
        %dma_wait3A_32 = arith.constant 0 : i32
        %dma_wait3A_33 = arith.constant 0 : i32
        %dma_wait3A_34 = tpu.memref_slice %arg4[%dma_wait3A_32, %dma_wait3A_33] : memref<10000x128xf32, #tpu.memory_space<hbm>> -> memref<10000x128xf32, #tpu.memory_space<hbm>>
        tpu.wait_indirect_dma semaphore(%run_scoped3A : memref<!tpu.dma_semaphore, #tpu.memory_space<semaphore_mem>>) src(%dma_wait3A_34 : memref<10000x128xf32, #tpu.memory_space<hbm>>) dst(%arg8 : memref<128x128xf32, #tpu.memory_space<vmem>>)
        tpu.yield
      }) : () -> ()
      "tpu.region"() ({
        %run_scoped3A = tpu.sem_alloc : memref<!tpu.dma_semaphore, #tpu.memory_space<semaphore_mem>>
        %dma_start3A = arith.constant 0 : i32
        %dma_start3A_25 = tpu.memref_slice %arg7[%add3A_24, %dma_start3A] : memref<80x128xi32, #tpu.memory_space<vmem>> -> memref<1x128xi32, #tpu.memory_space<vmem>>
        %dma_start3A_26 = tpu.memref_squeeze %dma_start3A_25 : memref<1x128xi32, #tpu.memory_space<vmem>> -> memref<128xi32, #tpu.memory_space<vmem>>
        %dma_start3A_27 = arith.constant 0 : i32
        %dma_start3A_28 = arith.constant 0 : i32
        %dma_start3A_29 = tpu.memref_slice %arg9[%dma_start3A_27, %dma_start3A_28] : memref<10240x128xf32, #tpu.memory_space<vmem_shared>> -> memref<10240x128xf32, #tpu.memory_space<vmem_shared>>
        tpu.enqueue_indirect_dma source(%arg8 : memref<128x128xf32, #tpu.memory_space<vmem>>) target(%dma_start3A_29 : memref<10240x128xf32, #tpu.memory_space<vmem_shared>>) offsets(%dma_start3A_26 : memref<128xi32, #tpu.memory_space<vmem>>) semaphore(%run_scoped3A : memref<!tpu.dma_semaphore, #tpu.memory_space<semaphore_mem>>) {add = true}
        %dma_wait3A = arith.constant 0 : i32
        %dma_wait3A_30 = tpu.memref_slice %arg7[%add3A_24, %dma_wait3A] : memref<80x128xi32, #tpu.memory_space<vmem>> -> memref<1x128xi32, #tpu.memory_space<vmem>>
        %dma_wait3A_31 = tpu.memref_squeeze %dma_wait3A_30 : memref<1x128xi32, #tpu.memory_space<vmem>> -> memref<128xi32, #tpu.memory_space<vmem>>
        %dma_wait3A_32 = arith.constant 0 : i32
        %dma_wait3A_33 = arith.constant 0 : i32
        %dma_wait3A_34 = tpu.memref_slice %arg9[%dma_wait3A_32, %dma_wait3A_33] : memref<10240x128xf32, #tpu.memory_space<vmem_shared>> -> memref<10240x128xf32, #tpu.memory_space<vmem_shared>>
        tpu.wait_indirect_dma semaphore(%run_scoped3A : memref<!tpu.dma_semaphore, #tpu.memory_space<semaphore_mem>>) src(%arg8 : memref<128x128xf32, #tpu.memory_space<vmem>>) dst(%dma_wait3A_34 : memref<10240x128xf32, #tpu.memory_space<vmem_shared>>)
        tpu.yield
      }) : () -> ()
    }
    %scan3A_14 = arith.constant 80 : i32
    %barrier3A_15 = arith.constant 0 : index
    tpu.barrier barrier_id(%barrier3A_15)
    %mul3A_16 = arith.constant 640 : i32
    %mul3A_17 = arith.muli %arg1, %mul3A_16 : i32
    %mul3A_18 = arith.constant 640 : i32
    %mul3A_19 = arith.muli %arg1, %mul3A_18 : i32
    "tpu.region"() ({
      %run_scoped3A = tpu.sem_alloc : memref<!tpu.dma_semaphore, #tpu.memory_space<semaphore_mem>>
      %dma_start3A = arith.constant 0 : i32
      %dma_start3A_20 = tpu.memref_slice %arg5[%arg0, %mul3A_19, %dma_start3A] : memref<2x10240x128xf32, #tpu.memory_space<hbm>> -> memref<1x640x128xf32, #tpu.memory_space<hbm>>
      %dma_start3A_21 = tpu.memref_squeeze %dma_start3A_20 : memref<1x640x128xf32, #tpu.memory_space<hbm>> -> memref<640x128xf32, #tpu.memory_space<hbm>>
      %dma_start3A_22 = arith.constant 0 : i32
      %dma_start3A_23 = tpu.memref_slice %arg9[%mul3A_17, %dma_start3A_22] : memref<10240x128xf32, #tpu.memory_space<vmem_shared>> -> memref<640x128xf32, #tpu.memory_space<vmem_shared>>
      tpu.enqueue_dma source(%dma_start3A_23 : memref<640x128xf32, #tpu.memory_space<vmem_shared>>) target(%dma_start3A_21 : memref<640x128xf32, #tpu.memory_space<hbm>>) target_semaphore(%run_scoped3A : memref<!tpu.dma_semaphore, #tpu.memory_space<semaphore_mem>>)
      %dma_wait3A = arith.constant 0 : i32
      %dma_wait3A_24 = tpu.memref_slice %arg5[%arg0, %mul3A_19, %dma_wait3A] : memref<2x10240x128xf32, #tpu.memory_space<hbm>> -> memref<1x640x128xf32, #tpu.memory_space<hbm>>
      %dma_wait3A_25 = tpu.memref_squeeze %dma_wait3A_24 : memref<1x640x128xf32, #tpu.memory_space<hbm>> -> memref<640x128xf32, #tpu.memory_space<hbm>>
      %dma_wait3A_26 = arith.constant 0 : i32
      %dma_wait3A_27 = tpu.memref_slice %arg9[%mul3A_17, %dma_wait3A_26] : memref<10240x128xf32, #tpu.memory_space<vmem_shared>> -> memref<640x128xf32, #tpu.memory_space<vmem_shared>>
      tpu.wait_dma2 semaphore(%run_scoped3A : memref<!tpu.dma_semaphore, #tpu.memory_space<semaphore_mem>>) src(%dma_wait3A_27 : memref<640x128xf32, #tpu.memory_space<vmem_shared>>) dst(%dma_wait3A_25 : memref<640x128xf32, #tpu.memory_space<hbm>>)
      tpu.yield
    }) : () -> ()
    return
  }
}

#map = affine_map<(d0, d1) -> (0, 0, 0)>
module attributes {stable_mosaic.version = 14 : i64} {
  func.func @_sc_prep(%arg0: i32, %arg1: i32, %arg2: memref<32x80x128xi32, #tpu.memory_space<hbm>>, %arg3: memref<32x80x128xi32, #tpu.memory_space<hbm>>, %arg4: memref<32x80x128xi32, #tpu.memory_space<hbm>>, %arg5: memref<32x80x128xi32, #tpu.memory_space<hbm>>, %arg6: memref<80x128xi32, #tpu.memory_space<vmem>>, %arg7: memref<80x128xi32, #tpu.memory_space<vmem>>, %arg8: memref<80x128xi32, #tpu.memory_space<vmem>>, %arg9: memref<80x128xi32, #tpu.memory_space<vmem>>) attributes {dimension_semantics = [#tpu.dimension_semantics<core_parallel>, #tpu.dimension_semantics<subcore_parallel>], iteration_bounds = array<i64: 2, 16>, scalar_prefetch = 0 : i64, scratch_operands = 4 : i64, tpu.core_type = #tpu.core_type<sc_vector_subcore>, window_params = [{transform_indices = #map}, {transform_indices = #map}, {transform_indices = #map}, {transform_indices = #map}]} {
    %mul3A = arith.constant 16 : i32
    %mul3A_0 = arith.muli %arg0, %mul3A : i32
    %add3A = arith.addi %mul3A_0, %arg1 : i32
    "tpu.region"() ({
      %run_scoped3A = tpu.sem_alloc : memref<!tpu.dma_semaphore, #tpu.memory_space<semaphore_mem>>
      %dma_start3A = arith.constant 0 : i32
      %dma_start3A_5 = arith.constant 0 : i32
      %dma_start3A_6 = tpu.memref_slice %arg2[%add3A, %dma_start3A, %dma_start3A_5] : memref<32x80x128xi32, #tpu.memory_space<hbm>> -> memref<1x80x128xi32, #tpu.memory_space<hbm>>
      %dma_start3A_7 = tpu.memref_squeeze %dma_start3A_6 : memref<1x80x128xi32, #tpu.memory_space<hbm>> -> memref<80x128xi32, #tpu.memory_space<hbm>>
      %dma_start3A_8 = arith.constant 0 : i32
      %dma_start3A_9 = arith.constant 0 : i32
      %dma_start3A_10 = tpu.memref_slice %arg2[%add3A, %dma_start3A_8, %dma_start3A_9] : memref<32x80x128xi32, #tpu.memory_space<hbm>> -> memref<1x80x128xi32, #tpu.memory_space<hbm>>
      %dma_start3A_11 = tpu.memref_squeeze %dma_start3A_10 : memref<1x80x128xi32, #tpu.memory_space<hbm>> -> memref<80x128xi32, #tpu.memory_space<hbm>>
      tpu.enqueue_dma source(%dma_start3A_11 : memref<80x128xi32, #tpu.memory_space<hbm>>) target(%arg6 : memref<80x128xi32, #tpu.memory_space<vmem>>) target_semaphore(%run_scoped3A : memref<!tpu.dma_semaphore, #tpu.memory_space<semaphore_mem>>)
      %dma_wait3A = arith.constant 0 : i32
      %dma_wait3A_12 = arith.constant 0 : i32
      %dma_wait3A_13 = tpu.memref_slice %arg2[%add3A, %dma_wait3A, %dma_wait3A_12] : memref<32x80x128xi32, #tpu.memory_space<hbm>> -> memref<1x80x128xi32, #tpu.memory_space<hbm>>
      %dma_wait3A_14 = tpu.memref_squeeze %dma_wait3A_13 : memref<1x80x128xi32, #tpu.memory_space<hbm>> -> memref<80x128xi32, #tpu.memory_space<hbm>>
      %dma_wait3A_15 = arith.constant 0 : i32
      %dma_wait3A_16 = arith.constant 0 : i32
      %dma_wait3A_17 = tpu.memref_slice %arg2[%add3A, %dma_wait3A_15, %dma_wait3A_16] : memref<32x80x128xi32, #tpu.memory_space<hbm>> -> memref<1x80x128xi32, #tpu.memory_space<hbm>>
      %dma_wait3A_18 = tpu.memref_squeeze %dma_wait3A_17 : memref<1x80x128xi32, #tpu.memory_space<hbm>> -> memref<80x128xi32, #tpu.memory_space<hbm>>
      tpu.wait_dma2 semaphore(%run_scoped3A : memref<!tpu.dma_semaphore, #tpu.memory_space<semaphore_mem>>) src(%dma_wait3A_18 : memref<80x128xi32, #tpu.memory_space<hbm>>) dst(%arg6 : memref<80x128xi32, #tpu.memory_space<vmem>>)
      tpu.yield
    }) : () -> ()
    "tpu.region"() ({
      %run_scoped3A = tpu.sem_alloc : memref<!tpu.dma_semaphore, #tpu.memory_space<semaphore_mem>>
      %dma_start3A = arith.constant 0 : i32
      %dma_start3A_5 = arith.constant 0 : i32
      %dma_start3A_6 = tpu.memref_slice %arg3[%add3A, %dma_start3A, %dma_start3A_5] : memref<32x80x128xi32, #tpu.memory_space<hbm>> -> memref<1x80x128xi32, #tpu.memory_space<hbm>>
      %dma_start3A_7 = tpu.memref_squeeze %dma_start3A_6 : memref<1x80x128xi32, #tpu.memory_space<hbm>> -> memref<80x128xi32, #tpu.memory_space<hbm>>
      %dma_start3A_8 = arith.constant 0 : i32
      %dma_start3A_9 = arith.constant 0 : i32
      %dma_start3A_10 = tpu.memref_slice %arg3[%add3A, %dma_start3A_8, %dma_start3A_9] : memref<32x80x128xi32, #tpu.memory_space<hbm>> -> memref<1x80x128xi32, #tpu.memory_space<hbm>>
      %dma_start3A_11 = tpu.memref_squeeze %dma_start3A_10 : memref<1x80x128xi32, #tpu.memory_space<hbm>> -> memref<80x128xi32, #tpu.memory_space<hbm>>
      tpu.enqueue_dma source(%dma_start3A_11 : memref<80x128xi32, #tpu.memory_space<hbm>>) target(%arg7 : memref<80x128xi32, #tpu.memory_space<vmem>>) target_semaphore(%run_scoped3A : memref<!tpu.dma_semaphore, #tpu.memory_space<semaphore_mem>>)
      %dma_wait3A = arith.constant 0 : i32
      %dma_wait3A_12 = arith.constant 0 : i32
      %dma_wait3A_13 = tpu.memref_slice %arg3[%add3A, %dma_wait3A, %dma_wait3A_12] : memref<32x80x128xi32, #tpu.memory_space<hbm>> -> memref<1x80x128xi32, #tpu.memory_space<hbm>>
      %dma_wait3A_14 = tpu.memref_squeeze %dma_wait3A_13 : memref<1x80x128xi32, #tpu.memory_space<hbm>> -> memref<80x128xi32, #tpu.memory_space<hbm>>
      %dma_wait3A_15 = arith.constant 0 : i32
      %dma_wait3A_16 = arith.constant 0 : i32
      %dma_wait3A_17 = tpu.memref_slice %arg3[%add3A, %dma_wait3A_15, %dma_wait3A_16] : memref<32x80x128xi32, #tpu.memory_space<hbm>> -> memref<1x80x128xi32, #tpu.memory_space<hbm>>
      %dma_wait3A_18 = tpu.memref_squeeze %dma_wait3A_17 : memref<1x80x128xi32, #tpu.memory_space<hbm>> -> memref<80x128xi32, #tpu.memory_space<hbm>>
      tpu.wait_dma2 semaphore(%run_scoped3A : memref<!tpu.dma_semaphore, #tpu.memory_space<semaphore_mem>>) src(%dma_wait3A_18 : memref<80x128xi32, #tpu.memory_space<hbm>>) dst(%arg7 : memref<80x128xi32, #tpu.memory_space<vmem>>)
      tpu.yield
    }) : () -> ()
    %iota3A = tpu.iota {dimensions = array<i32: 0>} : vector<16xi32>
    %scan3A = arith.constant 0 : i32
    %scan3A_1 = arith.constant 80 : i32
    %scan3A_2 = arith.addi %scan3A, %scan3A_1 : i32
    %scan3A_3 = arith.constant 1 : i32
    scf.for %scan3A_5 = %scan3A to %scan3A_2 step %scan3A_3  : i32 {
      %mul3A_6 = arith.constant 1 : i32
      %mul3A_7 = arith.muli %scan3A_5, %mul3A_6 : i32
      %add3A_8 = arith.constant 0 : i32
      %add3A_9 = arith.addi %add3A_8, %mul3A_7 : i32
      %scan3A_10 = arith.constant 0 : i32
      %scan3A_11 = arith.constant 8 : i32
      %scan3A_12 = arith.addi %scan3A_10, %scan3A_11 : i32
      %scan3A_13 = arith.constant 1 : i32
      scf.for %scan3A_15 = %scan3A_10 to %scan3A_12 step %scan3A_13  : i32 {
        %mul3A_16 = arith.constant 1 : i32
        %mul3A_17 = arith.muli %scan3A_15, %mul3A_16 : i32
        %add3A_18 = arith.constant 0 : i32
        %add3A_19 = arith.addi %add3A_18, %mul3A_17 : i32
        %mul3A_20 = arith.constant 16 : i32
        %mul3A_21 = arith.muli %add3A_19, %mul3A_20 : i32
        %get3A = arith.index_cast %add3A_9 : i32 to index
        %get3A_22 = arith.index_cast %mul3A_21 : i32 to index
        %get3A_23 = tpu.vector_load %arg6[%get3A, %get3A_22] {strides = array<i32>} : memref<80x128xi32, #tpu.memory_space<vmem>>, vector<1x16xi32>,
        %get3A_24 = vector.shape_cast %get3A_23 : vector<1x16xi32> to vector<16xi32>
        %mul3A_25 = arith.constant 16 : i32
        %mul3A_26 = arith.muli %add3A_19, %mul3A_25 : i32
        %get3A_27 = arith.index_cast %add3A_9 : i32 to index
        %get3A_28 = arith.index_cast %mul3A_26 : i32 to index
        %get3A_29 = tpu.vector_load %arg7[%get3A_27, %get3A_28] {strides = array<i32>} : memref<80x128xi32, #tpu.memory_space<vmem>>, vector<1x16xi32>,
        %get3A_30 = vector.shape_cast %get3A_29 : vector<1x16xi32> to vector<16xi32>
        %mul3A_31 = arith.constant 8 : i32
        %mul3A_32 = arith.muli %add3A_9, %mul3A_31 : i32
        %add3A_33 = arith.addi %mul3A_32, %add3A_19 : i32
        %jit3A = arith.constant 15 : i32
        %eq3A = arith.constant 0 : i32
        %eq3A_34 = arith.cmpi eq, %jit3A, %eq3A : i32
        %jit3A_35 = arith.constant 1 : i32
        %select_n3A = arith.select %eq3A_34, %jit3A_35, %jit3A : i32
        %rem3A = arith.remsi %add3A_33, %select_n3A : i32
        %ne3A = arith.constant 0 : i32
        %ne3A_36 = arith.cmpi ne, %rem3A, %ne3A : i32
        %lt3A = arith.constant 0 : i32
        %lt3A_37 = arith.cmpi slt, %rem3A, %lt3A : i32
        %lt3A_38 = arith.constant 0 : i32
        %lt3A_39 = arith.cmpi slt, %select_n3A, %lt3A_38 : i32
        %ne3A_40 = arith.xori %lt3A_37, %lt3A_39 : i1
        %and3A = arith.andi %ne3A_40, %ne3A_36 : i1
        %add3A_41 = arith.addi %rem3A, %select_n3A : i32
        %select_n3A_42 = arith.select %and3A, %add3A_41, %rem3A : i32
        %mul3A_43 = arith.constant 16 : i32
        %mul3A_44 = arith.muli %mul3A_43, %select_n3A_42 : i32
        %add3A_45 = arith.constant 10000 : i32
        %add3A_46 = arith.addi %add3A_45, %mul3A_44 : i32
        %add3A_47 = vector.broadcast %add3A_46 : i32 to vector<16xi32>
        %add3A_48 = arith.addi %iota3A, %add3A_47 : vector<16xi32>
        %eq3A_49 = arith.cmpi eq, %get3A_24, %get3A_30 : vector<16xi32>
        %select_n3A_50 = arith.select %eq3A_49, %add3A_48, %get3A_24 : vector<16xi1>, vector<16xi32>
        %mul3A_51 = arith.constant 16 : i32
        %mul3A_52 = arith.muli %add3A_19, %mul3A_51 : i32
        %swap3A = arith.index_cast %add3A_9 : i32 to index
        %swap3A_53 = arith.index_cast %mul3A_52 : i32 to index
        %swap3A_54 = tpu.vector_load %arg8[%swap3A, %swap3A_53] {strides = array<i32>} : memref<80x128xi32, #tpu.memory_space<vmem>>, vector<1x16xi32>,
        %swap3A_55 = vector.shape_cast %swap3A_54 : vector<1x16xi32> to vector<16xi32>
        %swap3A_56 = vector.shape_cast %select_n3A_50 : vector<16xi32> to vector<1x16xi32>
        tpu.vector_store %arg8[%swap3A, %swap3A_53], %swap3A_56 {strides = array<i32>} : memref<80x128xi32, #tpu.memory_space<vmem>>, vector<1x16xi32>,
        %select_n3A_57 = arith.select %eq3A_49, %add3A_48, %get3A_30 : vector<16xi1>, vector<16xi32>
        %mul3A_58 = arith.constant 16 : i32
        %mul3A_59 = arith.muli %add3A_19, %mul3A_58 : i32
        %swap3A_60 = arith.index_cast %add3A_9 : i32 to index
        %swap3A_61 = arith.index_cast %mul3A_59 : i32 to index
        %swap3A_62 = tpu.vector_load %arg9[%swap3A_60, %swap3A_61] {strides = array<i32>} : memref<80x128xi32, #tpu.memory_space<vmem>>, vector<1x16xi32>,
        %swap3A_63 = vector.shape_cast %swap3A_62 : vector<1x16xi32> to vector<16xi32>
        %swap3A_64 = vector.shape_cast %select_n3A_57 : vector<16xi32> to vector<1x16xi32>
        tpu.vector_store %arg9[%swap3A_60, %swap3A_61], %swap3A_64 {strides = array<i32>} : memref<80x128xi32, #tpu.memory_space<vmem>>, vector<1x16xi32>,
      }
      %scan3A_14 = arith.constant 8 : i32
    }
    %scan3A_4 = arith.constant 80 : i32
    "tpu.region"() ({
      %run_scoped3A = tpu.sem_alloc : memref<!tpu.dma_semaphore, #tpu.memory_space<semaphore_mem>>
      %dma_start3A = arith.constant 0 : i32
      %dma_start3A_5 = arith.constant 0 : i32
      %dma_start3A_6 = tpu.memref_slice %arg4[%add3A, %dma_start3A, %dma_start3A_5] : memref<32x80x128xi32, #tpu.memory_space<hbm>> -> memref<1x80x128xi32, #tpu.memory_space<hbm>>
      %dma_start3A_7 = tpu.memref_squeeze %dma_start3A_6 : memref<1x80x128xi32, #tpu.memory_space<hbm>> -> memref<80x128xi32, #tpu.memory_space<hbm>>
      %dma_start3A_8 = arith.constant 0 : i32
      %dma_start3A_9 = arith.constant 0 : i32
      %dma_start3A_10 = tpu.memref_slice %arg4[%add3A, %dma_start3A_8, %dma_start3A_9] : memref<32x80x128xi32, #tpu.memory_space<hbm>> -> memref<1x80x128xi32, #tpu.memory_space<hbm>>
      %dma_start3A_11 = tpu.memref_squeeze %dma_start3A_10 : memref<1x80x128xi32, #tpu.memory_space<hbm>> -> memref<80x128xi32, #tpu.memory_space<hbm>>
      tpu.enqueue_dma source(%arg8 : memref<80x128xi32, #tpu.memory_space<vmem>>) target(%dma_start3A_11 : memref<80x128xi32, #tpu.memory_space<hbm>>) target_semaphore(%run_scoped3A : memref<!tpu.dma_semaphore, #tpu.memory_space<semaphore_mem>>)
      %dma_wait3A = arith.constant 0 : i32
      %dma_wait3A_12 = arith.constant 0 : i32
      %dma_wait3A_13 = tpu.memref_slice %arg4[%add3A, %dma_wait3A, %dma_wait3A_12] : memref<32x80x128xi32, #tpu.memory_space<hbm>> -> memref<1x80x128xi32, #tpu.memory_space<hbm>>
      %dma_wait3A_14 = tpu.memref_squeeze %dma_wait3A_13 : memref<1x80x128xi32, #tpu.memory_space<hbm>> -> memref<80x128xi32, #tpu.memory_space<hbm>>
      %dma_wait3A_15 = arith.constant 0 : i32
      %dma_wait3A_16 = arith.constant 0 : i32
      %dma_wait3A_17 = tpu.memref_slice %arg4[%add3A, %dma_wait3A_15, %dma_wait3A_16] : memref<32x80x128xi32, #tpu.memory_space<hbm>> -> memref<1x80x128xi32, #tpu.memory_space<hbm>>
      %dma_wait3A_18 = tpu.memref_squeeze %dma_wait3A_17 : memref<1x80x128xi32, #tpu.memory_space<hbm>> -> memref<80x128xi32, #tpu.memory_space<hbm>>
      tpu.wait_dma2 semaphore(%run_scoped3A : memref<!tpu.dma_semaphore, #tpu.memory_space<semaphore_mem>>) src(%arg8 : memref<80x128xi32, #tpu.memory_space<vmem>>) dst(%dma_wait3A_18 : memref<80x128xi32, #tpu.memory_space<hbm>>)
      tpu.yield
    }) : () -> ()
    "tpu.region"() ({
      %run_scoped3A = tpu.sem_alloc : memref<!tpu.dma_semaphore, #tpu.memory_space<semaphore_mem>>
      %dma_start3A = arith.constant 0 : i32
      %dma_start3A_5 = arith.constant 0 : i32
      %dma_start3A_6 = tpu.memref_slice %arg5[%add3A, %dma_start3A, %dma_start3A_5] : memref<32x80x128xi32, #tpu.memory_space<hbm>> -> memref<1x80x128xi32, #tpu.memory_space<hbm>>
      %dma_start3A_7 = tpu.memref_squeeze %dma_start3A_6 : memref<1x80x128xi32, #tpu.memory_space<hbm>> -> memref<80x128xi32, #tpu.memory_space<hbm>>
      %dma_start3A_8 = arith.constant 0 : i32
      %dma_start3A_9 = arith.constant 0 : i32
      %dma_start3A_10 = tpu.memref_slice %arg5[%add3A, %dma_start3A_8, %dma_start3A_9] : memref<32x80x128xi32, #tpu.memory_space<hbm>> -> memref<1x80x128xi32, #tpu.memory_space<hbm>>
      %dma_start3A_11 = tpu.memref_squeeze %dma_start3A_10 : memref<1x80x128xi32, #tpu.memory_space<hbm>> -> memref<80x128xi32, #tpu.memory_space<hbm>>
      tpu.enqueue_dma source(%arg9 : memref<80x128xi32, #tpu.memory_space<vmem>>) target(%dma_start3A_11 : memref<80x128xi32, #tpu.memory_space<hbm>>) target_semaphore(%run_scoped3A : memref<!tpu.dma_semaphore, #tpu.memory_space<semaphore_mem>>)
      %dma_wait3A = arith.constant 0 : i32
      %dma_wait3A_12 = arith.constant 0 : i32
      %dma_wait3A_13 = tpu.memref_slice %arg5[%add3A, %dma_wait3A, %dma_wait3A_12] : memref<32x80x128xi32, #tpu.memory_space<hbm>> -> memref<1x80x128xi32, #tpu.memory_space<hbm>>
      %dma_wait3A_14 = tpu.memref_squeeze %dma_wait3A_13 : memref<1x80x128xi32, #tpu.memory_space<hbm>> -> memref<80x128xi32, #tpu.memory_space<hbm>>
      %dma_wait3A_15 = arith.constant 0 : i32
      %dma_wait3A_16 = arith.constant 0 : i32
      %dma_wait3A_17 = tpu.memref_slice %arg5[%add3A, %dma_wait3A_15, %dma_wait3A_16] : memref<32x80x128xi32, #tpu.memory_space<hbm>> -> memref<1x80x128xi32, #tpu.memory_space<hbm>>
      %dma_wait3A_18 = tpu.memref_squeeze %dma_wait3A_17 : memref<1x80x128xi32, #tpu.memory_space<hbm>> -> memref<80x128xi32, #tpu.memory_space<hbm>>
      tpu.wait_dma2 semaphore(%run_scoped3A : memref<!tpu.dma_semaphore, #tpu.memory_space<semaphore_mem>>) src(%arg9 : memref<80x128xi32, #tpu.memory_space<vmem>>) dst(%dma_wait3A_18 : memref<80x128xi32, #tpu.memory_space<hbm>>)
      tpu.yield
    }) : () -> ()
    return
  }
}

#map = affine_map<(d0, d1) -> (0, 0, 0)>
#map1 = affine_map<(d0, d1) -> (0, 0)>
module attributes {stable_mosaic.version = 14 : i64} {
  func.func @_sc_prop(%arg0: i32, %arg1: i32, %arg2: memref<32x80x128xi32, #tpu.memory_space<hbm>>, %arg3: memref<32x80x128xi32, #tpu.memory_space<hbm>>, %arg4: memref<10000x128xf32, #tpu.memory_space<hbm>>, %arg5: memref<2x10240x128xf32, #tpu.memory_space<hbm>>, %arg6: memref<80x128xi32, #tpu.memory_space<vmem>>, %arg7: memref<80x128xi32, #tpu.memory_space<vmem>>, %arg8: memref<128x128xf32, #tpu.memory_space<vmem>>, %arg9: memref<10240x128xf32, #tpu.memory_space<vmem_shared>>) attributes {dimension_semantics = [#tpu.dimension_semantics<core_parallel>, #tpu.dimension_semantics<subcore_parallel>], iteration_bounds = array<i64: 2, 16>, scalar_prefetch = 0 : i64, scratch_operands = 4 : i64, tpu.core_type = #tpu.core_type<sc_vector_subcore>, window_params = [{transform_indices = #map}, {transform_indices = #map}, {transform_indices = #map1}, {transform_indices = #map}]} {
    %mul3A = arith.constant 16 : i32
    %mul3A_0 = arith.muli %arg0, %mul3A : i32
    %add3A = arith.addi %mul3A_0, %arg1 : i32
    %scan3A = arith.constant 0 : i32
    %scan3A_1 = arith.constant 128 : i32
    %scan3A_2 = arith.addi %scan3A, %scan3A_1 : i32
    %scan3A_3 = arith.constant 1 : i32
    scf.for %scan3A_20 = %scan3A to %scan3A_2 step %scan3A_3  : i32 {
      %mul3A_21 = arith.constant 1 : i32
      %mul3A_22 = arith.muli %scan3A_20, %mul3A_21 : i32
      %add3A_23 = arith.constant 0 : i32
      %add3A_24 = arith.addi %add3A_23, %mul3A_22 : i32
      %scan3A_25 = arith.constant 0 : i32
      %scan3A_26 = arith.constant 8 : i32
      %scan3A_27 = arith.addi %scan3A_25, %scan3A_26 : i32
      %scan3A_28 = arith.constant 1 : i32
      scf.for %scan3A_30 = %scan3A_25 to %scan3A_27 step %scan3A_28  : i32 {
        %mul3A_31 = arith.constant 1 : i32
        %mul3A_32 = arith.muli %scan3A_30, %mul3A_31 : i32
        %add3A_33 = arith.constant 0 : i32
        %add3A_34 = arith.addi %add3A_33, %mul3A_32 : i32
        %broadcast_in_dim3A = arith.constant 0.000000e+00 : f32
        %broadcast_in_dim3A_35 = vector.broadcast %broadcast_in_dim3A : f32 to vector<16xf32>
        %mul3A_36 = arith.constant 16 : i32
        %mul3A_37 = arith.muli %add3A_34, %mul3A_36 : i32
        %swap3A = arith.index_cast %add3A_24 : i32 to index
        %swap3A_38 = arith.index_cast %mul3A_37 : i32 to index
        %swap3A_39 = tpu.vector_load %arg8[%swap3A, %swap3A_38] {strides = array<i32>} : memref<128x128xf32, #tpu.memory_space<vmem>>, vector<1x16xf32>,
        %swap3A_40 = vector.shape_cast %swap3A_39 : vector<1x16xf32> to vector<16xf32>
        %swap3A_41 = vector.shape_cast %broadcast_in_dim3A_35 : vector<16xf32> to vector<1x16xf32>
        tpu.vector_store %arg8[%swap3A, %swap3A_38], %swap3A_41 {strides = array<i32>} : memref<128x128xf32, #tpu.memory_space<vmem>>, vector<1x16xf32>,
      }
      %scan3A_29 = arith.constant 8 : i32
    }
    %scan3A_4 = arith.constant 128 : i32
    %scan3A_5 = arith.constant 0 : i32
    %scan3A_6 = arith.constant 5 : i32
    %scan3A_7 = arith.addi %scan3A_5, %scan3A_6 : i32
    %scan3A_8 = arith.constant 1 : i32
    scf.for %scan3A_20 = %scan3A_5 to %scan3A_7 step %scan3A_8  : i32 {
      %mul3A_21 = arith.constant 1 : i32
      %mul3A_22 = arith.muli %scan3A_20, %mul3A_21 : i32
      %add3A_23 = arith.constant 0 : i32
      %add3A_24 = arith.addi %add3A_23, %mul3A_22 : i32
      %mul3A_25 = arith.constant 640 : i32
      %mul3A_26 = arith.muli %arg1, %mul3A_25 : i32
      %mul3A_27 = arith.constant 128 : i32
      %mul3A_28 = arith.muli %add3A_24, %mul3A_27 : i32
      %add3A_29 = arith.addi %mul3A_26, %mul3A_28 : i32
      "tpu.region"() ({
        %run_scoped3A = tpu.sem_alloc : memref<!tpu.dma_semaphore, #tpu.memory_space<semaphore_mem>>
        %dma_start3A = arith.constant 0 : i32
        %dma_start3A_30 = tpu.memref_slice %arg9[%add3A_29, %dma_start3A] : memref<10240x128xf32, #tpu.memory_space<vmem_shared>> -> memref<128x128xf32, #tpu.memory_space<vmem_shared>>
        %dma_start3A_31 = arith.constant 0 : i32
        %dma_start3A_32 = tpu.memref_slice %arg9[%add3A_29, %dma_start3A_31] : memref<10240x128xf32, #tpu.memory_space<vmem_shared>> -> memref<128x128xf32, #tpu.memory_space<vmem_shared>>
        tpu.enqueue_dma source(%arg8 : memref<128x128xf32, #tpu.memory_space<vmem>>) target(%dma_start3A_32 : memref<128x128xf32, #tpu.memory_space<vmem_shared>>) target_semaphore(%run_scoped3A : memref<!tpu.dma_semaphore, #tpu.memory_space<semaphore_mem>>)
        %dma_wait3A = arith.constant 0 : i32
        %dma_wait3A_33 = tpu.memref_slice %arg9[%add3A_29, %dma_wait3A] : memref<10240x128xf32, #tpu.memory_space<vmem_shared>> -> memref<128x128xf32, #tpu.memory_space<vmem_shared>>
        %dma_wait3A_34 = arith.constant 0 : i32
        %dma_wait3A_35 = tpu.memref_slice %arg9[%add3A_29, %dma_wait3A_34] : memref<10240x128xf32, #tpu.memory_space<vmem_shared>> -> memref<128x128xf32, #tpu.memory_space<vmem_shared>>
        tpu.wait_dma2 semaphore(%run_scoped3A : memref<!tpu.dma_semaphore, #tpu.memory_space<semaphore_mem>>) src(%arg8 : memref<128x128xf32, #tpu.memory_space<vmem>>) dst(%dma_wait3A_35 : memref<128x128xf32, #tpu.memory_space<vmem_shared>>)
        tpu.yield
      }) : () -> ()
    }
    %scan3A_9 = arith.constant 5 : i32
    "tpu.region"() ({
      %run_scoped3A = tpu.sem_alloc : memref<!tpu.dma_semaphore, #tpu.memory_space<semaphore_mem>>
      %dma_start3A = arith.constant 0 : i32
      %dma_start3A_20 = arith.constant 0 : i32
      %dma_start3A_21 = tpu.memref_slice %arg2[%add3A, %dma_start3A, %dma_start3A_20] : memref<32x80x128xi32, #tpu.memory_space<hbm>> -> memref<1x80x128xi32, #tpu.memory_space<hbm>>
      %dma_start3A_22 = tpu.memref_squeeze %dma_start3A_21 : memref<1x80x128xi32, #tpu.memory_space<hbm>> -> memref<80x128xi32, #tpu.memory_space<hbm>>
      %dma_start3A_23 = arith.constant 0 : i32
      %dma_start3A_24 = arith.constant 0 : i32
      %dma_start3A_25 = tpu.memref_slice %arg2[%add3A, %dma_start3A_23, %dma_start3A_24] : memref<32x80x128xi32, #tpu.memory_space<hbm>> -> memref<1x80x128xi32, #tpu.memory_space<hbm>>
      %dma_start3A_26 = tpu.memref_squeeze %dma_start3A_25 : memref<1x80x128xi32, #tpu.memory_space<hbm>> -> memref<80x128xi32, #tpu.memory_space<hbm>>
      tpu.enqueue_dma source(%dma_start3A_26 : memref<80x128xi32, #tpu.memory_space<hbm>>) target(%arg6 : memref<80x128xi32, #tpu.memory_space<vmem>>) target_semaphore(%run_scoped3A : memref<!tpu.dma_semaphore, #tpu.memory_space<semaphore_mem>>)
      %dma_wait3A = arith.constant 0 : i32
      %dma_wait3A_27 = arith.constant 0 : i32
      %dma_wait3A_28 = tpu.memref_slice %arg2[%add3A, %dma_wait3A, %dma_wait3A_27] : memref<32x80x128xi32, #tpu.memory_space<hbm>> -> memref<1x80x128xi32, #tpu.memory_space<hbm>>
      %dma_wait3A_29 = tpu.memref_squeeze %dma_wait3A_28 : memref<1x80x128xi32, #tpu.memory_space<hbm>> -> memref<80x128xi32, #tpu.memory_space<hbm>>
      %dma_wait3A_30 = arith.constant 0 : i32
      %dma_wait3A_31 = arith.constant 0 : i32
      %dma_wait3A_32 = tpu.memref_slice %arg2[%add3A, %dma_wait3A_30, %dma_wait3A_31] : memref<32x80x128xi32, #tpu.memory_space<hbm>> -> memref<1x80x128xi32, #tpu.memory_space<hbm>>
      %dma_wait3A_33 = tpu.memref_squeeze %dma_wait3A_32 : memref<1x80x128xi32, #tpu.memory_space<hbm>> -> memref<80x128xi32, #tpu.memory_space<hbm>>
      tpu.wait_dma2 semaphore(%run_scoped3A : memref<!tpu.dma_semaphore, #tpu.memory_space<semaphore_mem>>) src(%dma_wait3A_33 : memref<80x128xi32, #tpu.memory_space<hbm>>) dst(%arg6 : memref<80x128xi32, #tpu.memory_space<vmem>>)
      tpu.yield
    }) : () -> ()
    "tpu.region"() ({
      %run_scoped3A = tpu.sem_alloc : memref<!tpu.dma_semaphore, #tpu.memory_space<semaphore_mem>>
      %dma_start3A = arith.constant 0 : i32
      %dma_start3A_20 = arith.constant 0 : i32
      %dma_start3A_21 = tpu.memref_slice %arg3[%add3A, %dma_start3A, %dma_start3A_20] : memref<32x80x128xi32, #tpu.memory_space<hbm>> -> memref<1x80x128xi32, #tpu.memory_space<hbm>>
      %dma_start3A_22 = tpu.memref_squeeze %dma_start3A_21 : memref<1x80x128xi32, #tpu.memory_space<hbm>> -> memref<80x128xi32, #tpu.memory_space<hbm>>
      %dma_start3A_23 = arith.constant 0 : i32
      %dma_start3A_24 = arith.constant 0 : i32
      %dma_start3A_25 = tpu.memref_slice %arg3[%add3A, %dma_start3A_23, %dma_start3A_24] : memref<32x80x128xi32, #tpu.memory_space<hbm>> -> memref<1x80x128xi32, #tpu.memory_space<hbm>>
      %dma_start3A_26 = tpu.memref_squeeze %dma_start3A_25 : memref<1x80x128xi32, #tpu.memory_space<hbm>> -> memref<80x128xi32, #tpu.memory_space<hbm>>
      tpu.enqueue_dma source(%dma_start3A_26 : memref<80x128xi32, #tpu.memory_space<hbm>>) target(%arg7 : memref<80x128xi32, #tpu.memory_space<vmem>>) target_semaphore(%run_scoped3A : memref<!tpu.dma_semaphore, #tpu.memory_space<semaphore_mem>>)
      %dma_wait3A = arith.constant 0 : i32
      %dma_wait3A_27 = arith.constant 0 : i32
      %dma_wait3A_28 = tpu.memref_slice %arg3[%add3A, %dma_wait3A, %dma_wait3A_27] : memref<32x80x128xi32, #tpu.memory_space<hbm>> -> memref<1x80x128xi32, #tpu.memory_space<hbm>>
      %dma_wait3A_29 = tpu.memref_squeeze %dma_wait3A_28 : memref<1x80x128xi32, #tpu.memory_space<hbm>> -> memref<80x128xi32, #tpu.memory_space<hbm>>
      %dma_wait3A_30 = arith.constant 0 : i32
      %dma_wait3A_31 = arith.constant 0 : i32
      %dma_wait3A_32 = tpu.memref_slice %arg3[%add3A, %dma_wait3A_30, %dma_wait3A_31] : memref<32x80x128xi32, #tpu.memory_space<hbm>> -> memref<1x80x128xi32, #tpu.memory_space<hbm>>
      %dma_wait3A_33 = tpu.memref_squeeze %dma_wait3A_32 : memref<1x80x128xi32, #tpu.memory_space<hbm>> -> memref<80x128xi32, #tpu.memory_space<hbm>>
      tpu.wait_dma2 semaphore(%run_scoped3A : memref<!tpu.dma_semaphore, #tpu.memory_space<semaphore_mem>>) src(%dma_wait3A_33 : memref<80x128xi32, #tpu.memory_space<hbm>>) dst(%arg7 : memref<80x128xi32, #tpu.memory_space<vmem>>)
      tpu.yield
    }) : () -> ()
    %barrier3A = arith.constant 0 : index
    tpu.barrier barrier_id(%barrier3A)
    %scan3A_10 = arith.constant 0 : i32
    %scan3A_11 = arith.constant 80 : i32
    %scan3A_12 = arith.addi %scan3A_10, %scan3A_11 : i32
    %scan3A_13 = arith.constant 1 : i32
    scf.for %scan3A_20 = %scan3A_10 to %scan3A_12 step %scan3A_13  : i32 {
      %mul3A_21 = arith.constant 1 : i32
      %mul3A_22 = arith.muli %scan3A_20, %mul3A_21 : i32
      %add3A_23 = arith.constant 0 : i32
      %add3A_24 = arith.addi %add3A_23, %mul3A_22 : i32
      "tpu.region"() ({
        %run_scoped3A = tpu.sem_alloc : memref<!tpu.dma_semaphore, #tpu.memory_space<semaphore_mem>>
        %dma_start3A = arith.constant 0 : i32
        %dma_start3A_25 = tpu.memref_slice %arg6[%add3A_24, %dma_start3A] : memref<80x128xi32, #tpu.memory_space<vmem>> -> memref<1x128xi32, #tpu.memory_space<vmem>>
        %dma_start3A_26 = tpu.memref_squeeze %dma_start3A_25 : memref<1x128xi32, #tpu.memory_space<vmem>> -> memref<128xi32, #tpu.memory_space<vmem>>
        %dma_start3A_27 = arith.constant 0 : i32
        %dma_start3A_28 = arith.constant 0 : i32
        %dma_start3A_29 = tpu.memref_slice %arg4[%dma_start3A_27, %dma_start3A_28] : memref<10000x128xf32, #tpu.memory_space<hbm>> -> memref<10000x128xf32, #tpu.memory_space<hbm>>
        tpu.enqueue_indirect_dma source(%dma_start3A_29 : memref<10000x128xf32, #tpu.memory_space<hbm>>) target(%arg8 : memref<128x128xf32, #tpu.memory_space<vmem>>) offsets(%dma_start3A_26 : memref<128xi32, #tpu.memory_space<vmem>>) semaphore(%run_scoped3A : memref<!tpu.dma_semaphore, #tpu.memory_space<semaphore_mem>>)
        %dma_wait3A = arith.constant 0 : i32
        %dma_wait3A_30 = tpu.memref_slice %arg6[%add3A_24, %dma_wait3A] : memref<80x128xi32, #tpu.memory_space<vmem>> -> memref<1x128xi32, #tpu.memory_space<vmem>>
        %dma_wait3A_31 = tpu.memref_squeeze %dma_wait3A_30 : memref<1x128xi32, #tpu.memory_space<vmem>> -> memref<128xi32, #tpu.memory_space<vmem>>
        %dma_wait3A_32 = arith.constant 0 : i32
        %dma_wait3A_33 = arith.constant 0 : i32
        %dma_wait3A_34 = tpu.memref_slice %arg4[%dma_wait3A_32, %dma_wait3A_33] : memref<10000x128xf32, #tpu.memory_space<hbm>> -> memref<10000x128xf32, #tpu.memory_space<hbm>>
        tpu.wait_indirect_dma semaphore(%run_scoped3A : memref<!tpu.dma_semaphore, #tpu.memory_space<semaphore_mem>>) src(%dma_wait3A_34 : memref<10000x128xf32, #tpu.memory_space<hbm>>) dst(%arg8 : memref<128x128xf32, #tpu.memory_space<vmem>>)
        tpu.yield
      }) : () -> ()
      "tpu.region"() ({
        %run_scoped3A = tpu.sem_alloc : memref<!tpu.dma_semaphore, #tpu.memory_space<semaphore_mem>>
        %dma_start3A = arith.constant 0 : i32
        %dma_start3A_25 = tpu.memref_slice %arg7[%add3A_24, %dma_start3A] : memref<80x128xi32, #tpu.memory_space<vmem>> -> memref<1x128xi32, #tpu.memory_space<vmem>>
        %dma_start3A_26 = tpu.memref_squeeze %dma_start3A_25 : memref<1x128xi32, #tpu.memory_space<vmem>> -> memref<128xi32, #tpu.memory_space<vmem>>
        %dma_start3A_27 = arith.constant 0 : i32
        %dma_start3A_28 = arith.constant 0 : i32
        %dma_start3A_29 = tpu.memref_slice %arg9[%dma_start3A_27, %dma_start3A_28] : memref<10240x128xf32, #tpu.memory_space<vmem_shared>> -> memref<10240x128xf32, #tpu.memory_space<vmem_shared>>
        tpu.enqueue_indirect_dma source(%arg8 : memref<128x128xf32, #tpu.memory_space<vmem>>) target(%dma_start3A_29 : memref<10240x128xf32, #tpu.memory_space<vmem_shared>>) offsets(%dma_start3A_26 : memref<128xi32, #tpu.memory_space<vmem>>) semaphore(%run_scoped3A : memref<!tpu.dma_semaphore, #tpu.memory_space<semaphore_mem>>) {add = true}
        %dma_wait3A = arith.constant 0 : i32
        %dma_wait3A_30 = tpu.memref_slice %arg7[%add3A_24, %dma_wait3A] : memref<80x128xi32, #tpu.memory_space<vmem>> -> memref<1x128xi32, #tpu.memory_space<vmem>>
        %dma_wait3A_31 = tpu.memref_squeeze %dma_wait3A_30 : memref<1x128xi32, #tpu.memory_space<vmem>> -> memref<128xi32, #tpu.memory_space<vmem>>
        %dma_wait3A_32 = arith.constant 0 : i32
        %dma_wait3A_33 = arith.constant 0 : i32
        %dma_wait3A_34 = tpu.memref_slice %arg9[%dma_wait3A_32, %dma_wait3A_33] : memref<10240x128xf32, #tpu.memory_space<vmem_shared>> -> memref<10240x128xf32, #tpu.memory_space<vmem_shared>>
        tpu.wait_indirect_dma semaphore(%run_scoped3A : memref<!tpu.dma_semaphore, #tpu.memory_space<semaphore_mem>>) src(%arg8 : memref<128x128xf32, #tpu.memory_space<vmem>>) dst(%dma_wait3A_34 : memref<10240x128xf32, #tpu.memory_space<vmem_shared>>)
        tpu.yield
      }) : () -> ()
    }
    %scan3A_14 = arith.constant 80 : i32
    %barrier3A_15 = arith.constant 0 : index
    tpu.barrier barrier_id(%barrier3A_15)
    %mul3A_16 = arith.constant 640 : i32
    %mul3A_17 = arith.muli %arg1, %mul3A_16 : i32
    %mul3A_18 = arith.constant 640 : i32
    %mul3A_19 = arith.muli %arg1, %mul3A_18 : i32
    "tpu.region"() ({
      %run_scoped3A = tpu.sem_alloc : memref<!tpu.dma_semaphore, #tpu.memory_space<semaphore_mem>>
      %dma_start3A = arith.constant 0 : i32
      %dma_start3A_20 = tpu.memref_slice %arg5[%arg0, %mul3A_19, %dma_start3A] : memref<2x10240x128xf32, #tpu.memory_space<hbm>> -> memref<1x640x128xf32, #tpu.memory_space<hbm>>
      %dma_start3A_21 = tpu.memref_squeeze %dma_start3A_20 : memref<1x640x128xf32, #tpu.memory_space<hbm>> -> memref<640x128xf32, #tpu.memory_space<hbm>>
      %dma_start3A_22 = arith.constant 0 : i32
      %dma_start3A_23 = tpu.memref_slice %arg9[%mul3A_17, %dma_start3A_22] : memref<10240x128xf32, #tpu.memory_space<vmem_shared>> -> memref<640x128xf32, #tpu.memory_space<vmem_shared>>
      tpu.enqueue_dma source(%dma_start3A_23 : memref<640x128xf32, #tpu.memory_space<vmem_shared>>) target(%dma_start3A_21 : memref<640x128xf32, #tpu.memory_space<hbm>>) target_semaphore(%run_scoped3A : memref<!tpu.dma_semaphore, #tpu.memory_space<semaphore_mem>>)
      %dma_wait3A = arith.constant 0 : i32
      %dma_wait3A_24 = tpu.memref_slice %arg5[%arg0, %mul3A_19, %dma_wait3A] : memref<2x10240x128xf32, #tpu.memory_space<hbm>> -> memref<1x640x128xf32, #tpu.memory_space<hbm>>
      %dma_wait3A_25 = tpu.memref_squeeze %dma_wait3A_24 : memref<1x640x128xf32, #tpu.memory_space<hbm>> -> memref<640x128xf32, #tpu.memory_space<hbm>>
      %dma_wait3A_26 = arith.constant 0 : i32
      %dma_wait3A_27 = tpu.memref_slice %arg9[%mul3A_17, %dma_wait3A_26] : memref<10240x128xf32, #tpu.memory_space<vmem_shared>> -> memref<640x128xf32, #tpu.memory_space<vmem_shared>>
      tpu.wait_dma2 semaphore(%run_scoped3A : memref<!tpu.dma_semaphore, #tpu.memory_space<semaphore_mem>>) src(%dma_wait3A_27 : memref<640x128xf32, #tpu.memory_space<vmem_shared>>) dst(%dma_wait3A_25 : memref<640x128xf32, #tpu.memory_space<hbm>>)
      tpu.yield
    }) : () -> ()
    return
  }
}

module attributes {stable_mosaic.version = 14 : i64} {
  func.func @_tc_scale1_body(%arg0: i32, %arg1: memref<2x2000x128xf32, #tpu.memory_space<vmem>>, %arg2: memref<2000x128xf32, #tpu.memory_space<vmem>>, %arg3: memref<2000x128xf32, #tpu.memory_space<vmem>>) attributes {dimension_semantics = [#tpu.dimension_semantics<arbitrary>], iteration_bounds = array<i64: 5>, scalar_prefetch = 0 : i64, scratch_operands = 0 : i64, tpu.core_type = #tpu.core_type<tc>, window_params = [{transform_indices = @transform_0, window_bounds = array<i64: 2, 2000, 128>}, {transform_indices = @transform_1, window_bounds = array<i64: 2000, 128>}, {transform_indices = @transform_2, window_bounds = array<i64: 2000, 128>}]} {
    %get3A = arith.constant 0 : index
    %get3A_0 = arith.constant 0 : index
    %get3A_1 = arith.constant 0 : index
    %get3A_2 = vector.load %arg1[%get3A, %get3A_0, %get3A_1] : memref<2x2000x128xf32, #tpu.memory_space<vmem>>, vector<1x2000x1xf32>
    %get3A_3 = vector.shape_cast %get3A_2 : vector<1x2000x1xf32> to vector<2000x1xf32>
    %get3A_4 = arith.constant 1 : index
    %get3A_5 = arith.constant 0 : index
    %get3A_6 = arith.constant 0 : index
    %get3A_7 = vector.load %arg1[%get3A_4, %get3A_5, %get3A_6] : memref<2x2000x128xf32, #tpu.memory_space<vmem>>, vector<1x2000x1xf32>
    %get3A_8 = vector.shape_cast %get3A_7 : vector<1x2000x1xf32> to vector<2000x1xf32>
    %add3A = arith.addf %get3A_3, %get3A_8 : vector<2000x1xf32>
    %gt3A = arith.constant 0.000000e+00 : f32
    %gt3A_9 = vector.broadcast %gt3A : f32 to vector<2000x1xf32>
    %gt3A_10 = arith.cmpf ogt, %add3A, %gt3A_9 : vector<2000x1xf32>
    %gt3A_11 = arith.constant 0.000000e+00 : f32
    %gt3A_12 = vector.broadcast %gt3A_11 : f32 to vector<2000x1xf32>
    %gt3A_13 = arith.cmpf ogt, %add3A, %gt3A_12 : vector<2000x1xf32>
    %jit3A = arith.constant 1.000000e+00 : f32
    %broadcast_in_dim3A = vector.broadcast %jit3A : f32 to vector<2000x1xf32>
    %select_n3A = arith.select %gt3A_13, %add3A, %broadcast_in_dim3A : vector<2000x1xi1>, vector<2000x1xf32>
    %rsqrt3A = math.rsqrt %select_n3A : vector<2000x1xf32>
    %jit3A_14 = arith.constant 0.000000e+00 : f32
    %broadcast_in_dim3A_15 = vector.broadcast %jit3A_14 : f32 to vector<2000x1xf32>
    %select_n3A_16 = arith.select %gt3A_10, %rsqrt3A, %broadcast_in_dim3A_15 : vector<2000x1xi1>, vector<2000x1xf32>
    %get3A_17 = arith.constant 0 : index
    %get3A_18 = arith.constant 0 : index
    %get3A_19 = vector.load %arg2[%get3A_17, %get3A_18] : memref<2000x128xf32, #tpu.memory_space<vmem>>, vector<2000x128xf32>
    %mul3A = vector.broadcast %select_n3A_16 : vector<2000x1xf32> to vector<2000x128xf32>
    %mul3A_20 = arith.mulf %mul3A, %get3A_19 : vector<2000x128xf32>
    %swap3A = arith.constant 0 : index
    %swap3A_21 = arith.constant 0 : index
    %swap3A_22 = vector.load %arg3[%swap3A, %swap3A_21] : memref<2000x128xf32, #tpu.memory_space<vmem>>, vector<2000x128xf32>
    tpu.vector_store %arg3[%swap3A, %swap3A_21], %mul3A_20 {strides = array<i32>} : memref<2000x128xf32, #tpu.memory_space<vmem>>, vector<2000x128xf32>,
    return
  }
  func.func @transform_0(%arg0: i32) -> (i32, i32, i32) {
    %c0_i32 = arith.constant 0 : i32
    %c0_i32_0 = arith.constant 0 : i32
    %c0_i32_1 = arith.constant 0 : i32
    return %c0_i32, %arg0, %c0_i32_0 : i32, i32, i32
  }
  func.func @transform_1(%arg0: i32) -> (i32, i32) {
    %c0_i32 = arith.constant 0 : i32
    %c0_i32_0 = arith.constant 0 : i32
    return %arg0, %c0_i32 : i32, i32
  }
  func.func @transform_2(%arg0: i32) -> (i32, i32) {
    %c0_i32 = arith.constant 0 : i32
    %c0_i32_0 = arith.constant 0 : i32
    return %arg0, %c0_i32 : i32, i32
  }
}

module attributes {stable_mosaic.version = 14 : i64} {
  func.func @_tc_scale2_body(%arg0: i32, %arg1: memref<2x2000x128xf32, #tpu.memory_space<vmem>>, %arg2: memref<2x2000x128xf32, #tpu.memory_space<vmem>>, %arg3: memref<2000x128xf32, #tpu.memory_space<vmem>>, %arg4: memref<2000x128xf32, #tpu.memory_space<vmem>>) attributes {dimension_semantics = [#tpu.dimension_semantics<arbitrary>], iteration_bounds = array<i64: 5>, scalar_prefetch = 0 : i64, scratch_operands = 0 : i64, tpu.core_type = #tpu.core_type<tc>, window_params = [{transform_indices = @transform_0, window_bounds = array<i64: 2, 2000, 128>}, {transform_indices = @transform_1, window_bounds = array<i64: 2, 2000, 128>}, {transform_indices = @transform_2, window_bounds = array<i64: 2000, 128>}, {transform_indices = @transform_3, window_bounds = array<i64: 2000, 128>}]} {
    %get3A = arith.constant 0 : index
    %get3A_0 = arith.constant 0 : index
    %get3A_1 = arith.constant 0 : index
    %get3A_2 = vector.load %arg1[%get3A, %get3A_0, %get3A_1] : memref<2x2000x128xf32, #tpu.memory_space<vmem>>, vector<1x2000x1xf32>
    %get3A_3 = vector.shape_cast %get3A_2 : vector<1x2000x1xf32> to vector<2000x1xf32>
    %get3A_4 = arith.constant 1 : index
    %get3A_5 = arith.constant 0 : index
    %get3A_6 = arith.constant 0 : index
    %get3A_7 = vector.load %arg1[%get3A_4, %get3A_5, %get3A_6] : memref<2x2000x128xf32, #tpu.memory_space<vmem>>, vector<1x2000x1xf32>
    %get3A_8 = vector.shape_cast %get3A_7 : vector<1x2000x1xf32> to vector<2000x1xf32>
    %add3A = arith.addf %get3A_3, %get3A_8 : vector<2000x1xf32>
    %gt3A = arith.constant 0.000000e+00 : f32
    %gt3A_9 = vector.broadcast %gt3A : f32 to vector<2000x1xf32>
    %gt3A_10 = arith.cmpf ogt, %add3A, %gt3A_9 : vector<2000x1xf32>
    %gt3A_11 = arith.constant 0.000000e+00 : f32
    %gt3A_12 = vector.broadcast %gt3A_11 : f32 to vector<2000x1xf32>
    %gt3A_13 = arith.cmpf ogt, %add3A, %gt3A_12 : vector<2000x1xf32>
    %jit3A = arith.constant 1.000000e+00 : f32
    %broadcast_in_dim3A = vector.broadcast %jit3A : f32 to vector<2000x1xf32>
    %select_n3A = arith.select %gt3A_13, %add3A, %broadcast_in_dim3A : vector<2000x1xi1>, vector<2000x1xf32>
    %rsqrt3A = math.rsqrt %select_n3A : vector<2000x1xf32>
    %jit3A_14 = arith.constant 0.000000e+00 : f32
    %broadcast_in_dim3A_15 = vector.broadcast %jit3A_14 : f32 to vector<2000x1xf32>
    %select_n3A_16 = arith.select %gt3A_10, %rsqrt3A, %broadcast_in_dim3A_15 : vector<2000x1xi1>, vector<2000x1xf32>
    %get3A_17 = arith.constant 0 : index
    %get3A_18 = arith.constant 0 : index
    %get3A_19 = arith.constant 0 : index
    %get3A_20 = vector.load %arg2[%get3A_17, %get3A_18, %get3A_19] : memref<2x2000x128xf32, #tpu.memory_space<vmem>>, vector<1x2000x128xf32>
    %get3A_21 = vector.shape_cast %get3A_20 : vector<1x2000x128xf32> to vector<2000x128xf32>
    %get3A_22 = arith.constant 1 : index
    %get3A_23 = arith.constant 0 : index
    %get3A_24 = arith.constant 0 : index
    %get3A_25 = vector.load %arg2[%get3A_22, %get3A_23, %get3A_24] : memref<2x2000x128xf32, #tpu.memory_space<vmem>>, vector<1x2000x128xf32>
    %get3A_26 = vector.shape_cast %get3A_25 : vector<1x2000x128xf32> to vector<2000x128xf32>
    %add3A_27 = arith.addf %get3A_21, %get3A_26 : vector<2000x128xf32>
    %neg3A = arith.constant 0.000000e+00 : f32
    %neg3A_28 = vector.broadcast %neg3A : f32 to vector<2000x1xf32>
    %neg3A_29 = arith.subf %neg3A_28, %select_n3A_16 : vector<2000x1xf32>
    %mul3A = vector.broadcast %neg3A_29 : vector<2000x1xf32> to vector<2000x128xf32>
    %mul3A_30 = arith.mulf %mul3A, %add3A_27 : vector<2000x128xf32>
    %swap3A = arith.constant 0 : index
    %swap3A_31 = arith.constant 0 : index
    %swap3A_32 = vector.load %arg3[%swap3A, %swap3A_31] : memref<2000x128xf32, #tpu.memory_space<vmem>>, vector<2000x128xf32>
    tpu.vector_store %arg3[%swap3A, %swap3A_31], %mul3A_30 {strides = array<i32>} : memref<2000x128xf32, #tpu.memory_space<vmem>>, vector<2000x128xf32>,
    %mul3A_33 = vector.broadcast %select_n3A_16 : vector<2000x1xf32> to vector<2000x128xf32>
    %mul3A_34 = arith.mulf %mul3A_33, %mul3A_30 : vector<2000x128xf32>
    %swap3A_35 = arith.constant 0 : index
    %swap3A_36 = arith.constant 0 : index
    %swap3A_37 = vector.load %arg4[%swap3A_35, %swap3A_36] : memref<2000x128xf32, #tpu.memory_space<vmem>>, vector<2000x128xf32>
    tpu.vector_store %arg4[%swap3A_35, %swap3A_36], %mul3A_34 {strides = array<i32>} : memref<2000x128xf32, #tpu.memory_space<vmem>>, vector<2000x128xf32>,
    return
  }
  func.func @transform_0(%arg0: i32) -> (i32, i32, i32) {
    %c0_i32 = arith.constant 0 : i32
    %c0_i32_0 = arith.constant 0 : i32
    %c0_i32_1 = arith.constant 0 : i32
    return %c0_i32, %arg0, %c0_i32_0 : i32, i32, i32
  }
  func.func @transform_1(%arg0: i32) -> (i32, i32, i32) {
    %c0_i32 = arith.constant 0 : i32
    %c0_i32_0 = arith.constant 0 : i32
    %c0_i32_1 = arith.constant 0 : i32
    return %c0_i32, %arg0, %c0_i32_0 : i32, i32, i32
  }
  func.func @transform_2(%arg0: i32) -> (i32, i32) {
    %c0_i32 = arith.constant 0 : i32
    %c0_i32_0 = arith.constant 0 : i32
    return %arg0, %c0_i32 : i32, i32
  }
  func.func @transform_3(%arg0: i32) -> (i32, i32) {
    %c0_i32 = arith.constant 0 : i32
    %c0_i32_0 = arith.constant 0 : i32
    return %arg0, %c0_i32 : i32, i32
  }
}

module attributes {stable_mosaic.version = 14 : i64} {
  func.func @_tc_pre_body(%arg0: i32, %arg1: memref<2000x128xf32, #tpu.memory_space<vmem>>, %arg2: memref<2000x128xf32, #tpu.memory_space<vmem>>, %arg3: memref<2x2000x128xf32, #tpu.memory_space<vmem>>, %arg4: memref<2x2000x128xf32, #tpu.memory_space<vmem>>, %arg5: memref<128x128xf32, #tpu.memory_space<vmem>>, %arg6: memref<128x128xf32, #tpu.memory_space<vmem>>, %arg7: memref<128x128xf32, #tpu.memory_space<vmem>>, %arg8: memref<1x128xf32, #tpu.memory_space<vmem>>, %arg9: memref<1x1xf32, #tpu.memory_space<vmem>>, %arg10: memref<2000x128xf32, #tpu.memory_space<vmem>>, %arg11: memref<1x2x128xf32, #tpu.memory_space<vmem>>) attributes {dimension_semantics = [#tpu.dimension_semantics<arbitrary>], iteration_bounds = array<i64: 5>, scalar_prefetch = 0 : i64, scratch_operands = 0 : i64, tpu.core_type = #tpu.core_type<tc>, window_params = [{transform_indices = @transform_0, window_bounds = array<i64: 2000, 128>}, {transform_indices = @transform_1, window_bounds = array<i64: 2000, 128>}, {transform_indices = @transform_2, window_bounds = array<i64: 2, 2000, 128>}, {transform_indices = @transform_3, window_bounds = array<i64: 2, 2000, 128>}, {pipeline_mode = #tpu.pipeline_mode<synchronous>, transform_indices = @transform_4, window_bounds = array<i64: 128, 128>}, {pipeline_mode = #tpu.pipeline_mode<synchronous>, transform_indices = @transform_5, window_bounds = array<i64: 128, 128>}, {pipeline_mode = #tpu.pipeline_mode<synchronous>, transform_indices = @transform_6, window_bounds = array<i64: 128, 128>}, {pipeline_mode = #tpu.pipeline_mode<synchronous>, transform_indices = @transform_7, window_bounds = array<i64: 1, 128>}, {pipeline_mode = #tpu.pipeline_mode<synchronous>, transform_indices = @transform_8, window_bounds = array<i64: 1, 1>}, {transform_indices = @transform_9, window_bounds = array<i64: 2000, 128>}, {transform_indices = @transform_10, window_bounds = array<i64: 1, 2, 128>}]} {
    %get3A = arith.constant 0 : index
    %get3A_0 = arith.constant 0 : index
    %get3A_1 = arith.constant 0 : index
    %get3A_2 = vector.load %arg4[%get3A, %get3A_0, %get3A_1] : memref<2x2000x128xf32, #tpu.memory_space<vmem>>, vector<1x2000x1xf32>
    %get3A_3 = vector.shape_cast %get3A_2 : vector<1x2000x1xf32> to vector<2000x1xf32>
    %get3A_4 = arith.constant 1 : index
    %get3A_5 = arith.constant 0 : index
    %get3A_6 = arith.constant 0 : index
    %get3A_7 = vector.load %arg4[%get3A_4, %get3A_5, %get3A_6] : memref<2x2000x128xf32, #tpu.memory_space<vmem>>, vector<1x2000x1xf32>
    %get3A_8 = vector.shape_cast %get3A_7 : vector<1x2000x1xf32> to vector<2000x1xf32>
    %add3A = arith.addf %get3A_3, %get3A_8 : vector<2000x1xf32>
    %gt3A = arith.constant 0.000000e+00 : f32
    %gt3A_9 = vector.broadcast %gt3A : f32 to vector<2000x1xf32>
    %gt3A_10 = arith.cmpf ogt, %add3A, %gt3A_9 : vector<2000x1xf32>
    %gt3A_11 = arith.constant 0.000000e+00 : f32
    %gt3A_12 = vector.broadcast %gt3A_11 : f32 to vector<2000x1xf32>
    %gt3A_13 = arith.cmpf ogt, %add3A, %gt3A_12 : vector<2000x1xf32>
    %jit3A = arith.constant 1.000000e+00 : f32
    %broadcast_in_dim3A = vector.broadcast %jit3A : f32 to vector<2000x1xf32>
    %select_n3A = arith.select %gt3A_13, %add3A, %broadcast_in_dim3A : vector<2000x1xi1>, vector<2000x1xf32>
    %rsqrt3A = math.rsqrt %select_n3A : vector<2000x1xf32>
    %jit3A_14 = arith.constant 0.000000e+00 : f32
    %broadcast_in_dim3A_15 = vector.broadcast %jit3A_14 : f32 to vector<2000x1xf32>
    %select_n3A_16 = arith.select %gt3A_10, %rsqrt3A, %broadcast_in_dim3A_15 : vector<2000x1xi1>, vector<2000x1xf32>
    %get3A_17 = arith.constant 0 : index
    %get3A_18 = arith.constant 0 : index
    %get3A_19 = vector.load %arg1[%get3A_17, %get3A_18] : memref<2000x128xf32, #tpu.memory_space<vmem>>, vector<2000x128xf32>
    %get3A_20 = arith.constant 0 : index
    %get3A_21 = arith.constant 0 : index
    %get3A_22 = arith.constant 0 : index
    %get3A_23 = vector.load %arg3[%get3A_20, %get3A_21, %get3A_22] : memref<2x2000x128xf32, #tpu.memory_space<vmem>>, vector<1x2000x128xf32>
    %get3A_24 = vector.shape_cast %get3A_23 : vector<1x2000x128xf32> to vector<2000x128xf32>
    %get3A_25 = arith.constant 1 : index
    %get3A_26 = arith.constant 0 : index
    %get3A_27 = arith.constant 0 : index
    %get3A_28 = vector.load %arg3[%get3A_25, %get3A_26, %get3A_27] : memref<2x2000x128xf32, #tpu.memory_space<vmem>>, vector<1x2000x128xf32>
    %get3A_29 = vector.shape_cast %get3A_28 : vector<1x2000x128xf32> to vector<2000x128xf32>
    %add3A_30 = arith.addf %get3A_24, %get3A_29 : vector<2000x128xf32>
    %mul3A = arith.constant -2.000000e+00 : f32
    %mul3A_31 = vector.broadcast %mul3A : f32 to vector<2000x1xf32>
    %mul3A_32 = arith.mulf %mul3A_31, %select_n3A_16 : vector<2000x1xf32>
    %mul3A_33 = vector.broadcast %mul3A_32 : vector<2000x1xf32> to vector<2000x128xf32>
    %mul3A_34 = arith.mulf %mul3A_33, %add3A_30 : vector<2000x128xf32>
    %sub3A = arith.subf %mul3A_34, %get3A_19 : vector<2000x128xf32>
    %get3A_35 = arith.constant 0 : index
    %get3A_36 = arith.constant 0 : index
    %get3A_37 = vector.load %arg5[%get3A_35, %get3A_36] : memref<128x128xf32, #tpu.memory_space<vmem>>, vector<128x128xf32>
    %dot_general3A = arith.constant dense<0.000000e+00> : vector<2000x128xf32>
    %dot_general3A_38 = tpu.matmul %get3A_19, %get3A_37, %dot_general3A {dimension_numbers = #tpu.dot_dimension_numbers<[1], [0], [0], [1], [0, 0, 1, 1], [], []>, precision = #tpu.contract_precision<fp32>, transpose_lhs_hint = false} : vector<2000x128xf32>, vector<128x128xf32>, vector<2000x128xf32> -> vector<2000x128xf32>
    %get3A_39 = arith.constant 0 : index
    %get3A_40 = arith.constant 0 : index
    %get3A_41 = vector.load %arg2[%get3A_39, %get3A_40] : memref<2000x128xf32, #tpu.memory_space<vmem>>, vector<2000x128xf32>
    %get3A_42 = arith.constant 0 : index
    %get3A_43 = arith.constant 0 : index
    %get3A_44 = vector.load %arg6[%get3A_42, %get3A_43] : memref<128x128xf32, #tpu.memory_space<vmem>>, vector<128x128xf32>
    %dot_general3A_45 = arith.constant dense<0.000000e+00> : vector<2000x128xf32>
    %dot_general3A_46 = tpu.matmul %get3A_41, %get3A_44, %dot_general3A_45 {dimension_numbers = #tpu.dot_dimension_numbers<[1], [0], [0], [1], [0, 0, 1, 1], [], []>, precision = #tpu.contract_precision<fp32>, transpose_lhs_hint = false} : vector<2000x128xf32>, vector<128x128xf32>, vector<2000x128xf32> -> vector<2000x128xf32>
    %add3A_47 = arith.addf %dot_general3A_38, %dot_general3A_46 : vector<2000x128xf32>
    %get3A_48 = arith.constant 0 : index
    %get3A_49 = arith.constant 0 : index
    %get3A_50 = vector.load %arg7[%get3A_48, %get3A_49] : memref<128x128xf32, #tpu.memory_space<vmem>>, vector<128x128xf32>
    %dot_general3A_51 = arith.constant dense<0.000000e+00> : vector<2000x128xf32>
    %dot_general3A_52 = tpu.matmul %sub3A, %get3A_50, %dot_general3A_51 {dimension_numbers = #tpu.dot_dimension_numbers<[1], [0], [0], [1], [0, 0, 1, 1], [], []>, precision = #tpu.contract_precision<fp32>, transpose_lhs_hint = false} : vector<2000x128xf32>, vector<128x128xf32>, vector<2000x128xf32> -> vector<2000x128xf32>
    %add3A_53 = arith.addf %add3A_47, %dot_general3A_52 : vector<2000x128xf32>
    %get3A_54 = arith.constant 0 : index
    %get3A_55 = arith.constant 0 : index
    %get3A_56 = vector.load %arg8[%get3A_54, %get3A_55] : memref<1x128xf32, #tpu.memory_space<vmem>>, vector<1x128xf32>
    %add3A_57 = vector.broadcast %get3A_56 : vector<1x128xf32> to vector<2000x128xf32>
    %add3A_58 = arith.addf %add3A_53, %add3A_57 : vector<2000x128xf32>
    %ge3A = arith.constant 0.000000e+00 : f32
    %ge3A_59 = vector.broadcast %ge3A : f32 to vector<2000x128xf32>
    %ge3A_60 = arith.cmpf oge, %add3A_58, %ge3A_59 : vector<2000x128xf32>
    %get3A_61 = arith.constant 0 : index
    %get3A_62 = arith.constant 0 : index
    %get3A_63 = vector.load %arg9[%get3A_61, %get3A_62] : memref<1x1xf32, #tpu.memory_space<vmem>>, vector<1x1xf32>
    %get3A_64 = vector.extract %get3A_63[0, 0] : f32 from vector<1x1xf32>
    %mul3A_65 = vector.broadcast %get3A_64 : f32 to vector<2000x128xf32>
    %mul3A_66 = arith.mulf %mul3A_65, %add3A_58 : vector<2000x128xf32>
    %select_n3A_67 = arith.select %ge3A_60, %add3A_58, %mul3A_66 : vector<2000x128xi1>, vector<2000x128xf32>
    %swap3A = arith.constant 0 : index
    %swap3A_68 = arith.constant 0 : index
    %swap3A_69 = vector.load %arg10[%swap3A, %swap3A_68] : memref<2000x128xf32, #tpu.memory_space<vmem>>, vector<2000x128xf32>
    tpu.vector_store %arg10[%swap3A, %swap3A_68], %select_n3A_67 {strides = array<i32>} : memref<2000x128xf32, #tpu.memory_space<vmem>>, vector<2000x128xf32>,
    %reduce_sum3A = arith.constant dense<0.000000e+00> : vector<128xf32>
    %reduce_sum3A_70 = vector.multi_reduction <add>, %select_n3A_67, %reduce_sum3A [0] : vector<2000x128xf32> to vector<128xf32>
    %swap3A_71 = arith.constant 0 : index
    %swap3A_72 = arith.constant 0 : index
    %swap3A_73 = arith.constant 0 : index
    %swap3A_74 = vector.load %arg11[%swap3A_71, %swap3A_72, %swap3A_73] : memref<1x2x128xf32, #tpu.memory_space<vmem>>, vector<1x1x128xf32>
    %swap3A_75 = vector.shape_cast %swap3A_74 : vector<1x1x128xf32> to vector<128xf32>
    %swap3A_76 = vector.shape_cast %reduce_sum3A_70 : vector<128xf32> to vector<1x1x128xf32>
    tpu.vector_store %arg11[%swap3A_71, %swap3A_72, %swap3A_73], %swap3A_76 {strides = array<i32>} : memref<1x2x128xf32, #tpu.memory_space<vmem>>, vector<1x1x128xf32>,
    %mul3A_77 = arith.mulf %select_n3A_67, %select_n3A_67 : vector<2000x128xf32>
    %reduce_sum3A_78 = arith.constant dense<0.000000e+00> : vector<128xf32>
    %reduce_sum3A_79 = vector.multi_reduction <add>, %mul3A_77, %reduce_sum3A_78 [0] : vector<2000x128xf32> to vector<128xf32>
    %swap3A_80 = arith.constant 0 : index
    %swap3A_81 = arith.constant 1 : index
    %swap3A_82 = arith.constant 0 : index
    %swap3A_83 = vector.load %arg11[%swap3A_80, %swap3A_81, %swap3A_82] : memref<1x2x128xf32, #tpu.memory_space<vmem>>, vector<1x1x128xf32>
    %swap3A_84 = vector.shape_cast %swap3A_83 : vector<1x1x128xf32> to vector<128xf32>
    %swap3A_85 = vector.shape_cast %reduce_sum3A_79 : vector<128xf32> to vector<1x1x128xf32>
    tpu.vector_store %arg11[%swap3A_80, %swap3A_81, %swap3A_82], %swap3A_85 {strides = array<i32>} : memref<1x2x128xf32, #tpu.memory_space<vmem>>, vector<1x1x128xf32>,
    return
  }
  func.func @transform_0(%arg0: i32) -> (i32, i32) {
    %c0_i32 = arith.constant 0 : i32
    %c0_i32_0 = arith.constant 0 : i32
    return %arg0, %c0_i32 : i32, i32
  }
  func.func @transform_1(%arg0: i32) -> (i32, i32) {
    %c0_i32 = arith.constant 0 : i32
    %c0_i32_0 = arith.constant 0 : i32
    return %arg0, %c0_i32 : i32, i32
  }
  func.func @transform_2(%arg0: i32) -> (i32, i32, i32) {
    %c0_i32 = arith.constant 0 : i32
    %c0_i32_0 = arith.constant 0 : i32
    %c0_i32_1 = arith.constant 0 : i32
    return %c0_i32, %arg0, %c0_i32_0 : i32, i32, i32
  }
  func.func @transform_3(%arg0: i32) -> (i32, i32, i32) {
    %c0_i32 = arith.constant 0 : i32
    %c0_i32_0 = arith.constant 0 : i32
    %c0_i32_1 = arith.constant 0 : i32
    return %c0_i32, %arg0, %c0_i32_0 : i32, i32, i32
  }
  func.func @transform_4(%arg0: i32) -> (i32, i32) {
    %c0_i32 = arith.constant 0 : i32
    %c0_i32_0 = arith.constant 0 : i32
    %c0_i32_1 = arith.constant 0 : i32
    return %c0_i32, %c0_i32_0 : i32, i32
  }
  func.func @transform_5(%arg0: i32) -> (i32, i32) {
    %c0_i32 = arith.constant 0 : i32
    %c0_i32_0 = arith.constant 0 : i32
    %c0_i32_1 = arith.constant 0 : i32
    return %c0_i32, %c0_i32_0 : i32, i32
  }
  func.func @transform_6(%arg0: i32) -> (i32, i32) {
    %c0_i32 = arith.constant 0 : i32
    %c0_i32_0 = arith.constant 0 : i32
    %c0_i32_1 = arith.constant 0 : i32
    return %c0_i32, %c0_i32_0 : i32, i32
  }
  func.func @transform_7(%arg0: i32) -> (i32, i32) {
    %c0_i32 = arith.constant 0 : i32
    %c0_i32_0 = arith.constant 0 : i32
    %c0_i32_1 = arith.constant 0 : i32
    return %c0_i32, %c0_i32_0 : i32, i32
  }
  func.func @transform_8(%arg0: i32) -> (i32, i32) {
    %c0_i32 = arith.constant 0 : i32
    %c0_i32_0 = arith.constant 0 : i32
    %c0_i32_1 = arith.constant 0 : i32
    return %c0_i32, %c0_i32_0 : i32, i32
  }
  func.func @transform_9(%arg0: i32) -> (i32, i32) {
    %c0_i32 = arith.constant 0 : i32
    %c0_i32_0 = arith.constant 0 : i32
    return %arg0, %c0_i32 : i32, i32
  }
  func.func @transform_10(%arg0: i32) -> (i32, i32, i32) {
    %c0_i32 = arith.constant 0 : i32
    %c0_i32_0 = arith.constant 0 : i32
    %c0_i32_1 = arith.constant 0 : i32
    return %arg0, %c0_i32, %c0_i32_0 : i32, i32, i32
  }
}

module attributes {stable_mosaic.version = 14 : i64} {
  func.func @_tc_bn_body(%arg0: i32, %arg1: memref<2000x128xf32, #tpu.memory_space<vmem>>, %arg2: memref<5x2x128xf32, #tpu.memory_space<vmem>>, %arg3: memref<1x128xf32, #tpu.memory_space<vmem>>, %arg4: memref<1x128xf32, #tpu.memory_space<vmem>>, %arg5: memref<2000x128xf32, #tpu.memory_space<vmem>>) attributes {dimension_semantics = [#tpu.dimension_semantics<arbitrary>], iteration_bounds = array<i64: 5>, scalar_prefetch = 0 : i64, scratch_operands = 0 : i64, tpu.core_type = #tpu.core_type<tc>, window_params = [{transform_indices = @transform_0, window_bounds = array<i64: 2000, 128>}, {pipeline_mode = #tpu.pipeline_mode<synchronous>, transform_indices = @transform_1, window_bounds = array<i64: 5, 2, 128>}, {pipeline_mode = #tpu.pipeline_mode<synchronous>, transform_indices = @transform_2, window_bounds = array<i64: 1, 128>}, {pipeline_mode = #tpu.pipeline_mode<synchronous>, transform_indices = @transform_3, window_bounds = array<i64: 1, 128>}, {transform_indices = @transform_4, window_bounds = array<i64: 2000, 128>}]} {
    %get3A = arith.constant 0 : index
    %get3A_0 = arith.constant 0 : index
    %get3A_1 = arith.constant 0 : index
    %get3A_2 = vector.load %arg2[%get3A, %get3A_0, %get3A_1] : memref<5x2x128xf32, #tpu.memory_space<vmem>>, vector<5x1x128xf32>
    %get3A_3 = vector.shape_cast %get3A_2 : vector<5x1x128xf32> to vector<5x128xf32>
    %reduce_sum3A = arith.constant dense<0.000000e+00> : vector<128xf32>
    %reduce_sum3A_4 = vector.multi_reduction <add>, %get3A_3, %reduce_sum3A [0] : vector<5x128xf32> to vector<128xf32>
    %broadcast_in_dim3A = vector.shape_cast %reduce_sum3A_4 : vector<128xf32> to vector<1x128xf32>
    %get3A_5 = arith.constant 0 : index
    %get3A_6 = arith.constant 1 : index
    %get3A_7 = arith.constant 0 : index
    %get3A_8 = vector.load %arg2[%get3A_5, %get3A_6, %get3A_7] : memref<5x2x128xf32, #tpu.memory_space<vmem>>, vector<5x1x128xf32>
    %get3A_9 = vector.shape_cast %get3A_8 : vector<5x1x128xf32> to vector<5x128xf32>
    %reduce_sum3A_10 = arith.constant dense<0.000000e+00> : vector<128xf32>
    %reduce_sum3A_11 = vector.multi_reduction <add>, %get3A_9, %reduce_sum3A_10 [0] : vector<5x128xf32> to vector<128xf32>
    %broadcast_in_dim3A_12 = vector.shape_cast %reduce_sum3A_11 : vector<128xf32> to vector<1x128xf32>
    %mul3A = arith.constant 9.99999974E-5 : f32
    %mul3A_13 = vector.broadcast %mul3A : f32 to vector<1x128xf32>
    %mul3A_14 = arith.mulf %broadcast_in_dim3A, %mul3A_13 : vector<1x128xf32>
    %mul3A_15 = arith.constant 9.99999974E-5 : f32
    %mul3A_16 = vector.broadcast %mul3A_15 : f32 to vector<1x128xf32>
    %mul3A_17 = arith.mulf %broadcast_in_dim3A_12, %mul3A_16 : vector<1x128xf32>
    %mul3A_18 = arith.mulf %mul3A_14, %mul3A_14 : vector<1x128xf32>
    %sub3A = arith.subf %mul3A_17, %mul3A_18 : vector<1x128xf32>
    %add3A = arith.constant 9.99999974E-6 : f32
    %add3A_19 = vector.broadcast %add3A : f32 to vector<1x128xf32>
    %add3A_20 = arith.addf %sub3A, %add3A_19 : vector<1x128xf32>
    %rsqrt3A = math.rsqrt %add3A_20 : vector<1x128xf32>
    %get3A_21 = arith.constant 0 : index
    %get3A_22 = arith.constant 0 : index
    %get3A_23 = vector.load %arg3[%get3A_21, %get3A_22] : memref<1x128xf32, #tpu.memory_space<vmem>>, vector<1x128xf32>
    %mul3A_24 = arith.mulf %rsqrt3A, %get3A_23 : vector<1x128xf32>
    %get3A_25 = arith.constant 0 : index
    %get3A_26 = arith.constant 0 : index
    %get3A_27 = vector.load %arg1[%get3A_25, %get3A_26] : memref<2000x128xf32, #tpu.memory_space<vmem>>, vector<2000x128xf32>
    %sub3A_28 = vector.broadcast %mul3A_14 : vector<1x128xf32> to vector<2000x128xf32>
    %sub3A_29 = arith.subf %get3A_27, %sub3A_28 : vector<2000x128xf32>
    %mul3A_30 = vector.broadcast %mul3A_24 : vector<1x128xf32> to vector<2000x128xf32>
    %mul3A_31 = arith.mulf %sub3A_29, %mul3A_30 : vector<2000x128xf32>
    %get3A_32 = arith.constant 0 : index
    %get3A_33 = arith.constant 0 : index
    %get3A_34 = vector.load %arg4[%get3A_32, %get3A_33] : memref<1x128xf32, #tpu.memory_space<vmem>>, vector<1x128xf32>
    %add3A_35 = vector.broadcast %get3A_34 : vector<1x128xf32> to vector<2000x128xf32>
    %add3A_36 = arith.addf %mul3A_31, %add3A_35 : vector<2000x128xf32>
    %swap3A = arith.constant 0 : index
    %swap3A_37 = arith.constant 0 : index
    %swap3A_38 = vector.load %arg5[%swap3A, %swap3A_37] : memref<2000x128xf32, #tpu.memory_space<vmem>>, vector<2000x128xf32>
    tpu.vector_store %arg5[%swap3A, %swap3A_37], %add3A_36 {strides = array<i32>} : memref<2000x128xf32, #tpu.memory_space<vmem>>, vector<2000x128xf32>,
    return
  }
  func.func @transform_0(%arg0: i32) -> (i32, i32) {
    %c0_i32 = arith.constant 0 : i32
    %c0_i32_0 = arith.constant 0 : i32
    return %arg0, %c0_i32 : i32, i32
  }
  func.func @transform_1(%arg0: i32) -> (i32, i32, i32) {
    %c0_i32 = arith.constant 0 : i32
    %c0_i32_0 = arith.constant 0 : i32
    %c0_i32_1 = arith.constant 0 : i32
    %c0_i32_2 = arith.constant 0 : i32
    return %c0_i32, %c0_i32_0, %c0_i32_1 : i32, i32, i32
  }
  func.func @transform_2(%arg0: i32) -> (i32, i32) {
    %c0_i32 = arith.constant 0 : i32
    %c0_i32_0 = arith.constant 0 : i32
    %c0_i32_1 = arith.constant 0 : i32
    return %c0_i32, %c0_i32_0 : i32, i32
  }
  func.func @transform_3(%arg0: i32) -> (i32, i32) {
    %c0_i32 = arith.constant 0 : i32
    %c0_i32_0 = arith.constant 0 : i32
    %c0_i32_1 = arith.constant 0 : i32
    return %c0_i32, %c0_i32_0 : i32, i32
  }
  func.func @transform_4(%arg0: i32) -> (i32, i32) {
    %c0_i32 = arith.constant 0 : i32
    %c0_i32_0 = arith.constant 0 : i32
    return %arg0, %c0_i32 : i32, i32
  }
}

</mosaic_0001>

<sc_bundles>
// kernel: kernel.10.cloned.1.call-start
scs
__scs_entry_jumppad:
0x0: {  	(pc) =	sbr.rel $0x88, $3  }
0x1: {  	(tag) =	ssettag $0x0;
	lr =	simm.s32 $0x1  }
0x2: {  	[smem:$0x3F98] =	sst lr;
	_ =	strace $0xD0000000  }
0x3: {  	_ = 	snop  }
0x4: {  	_ = 	snop  }
0x5: {  	_ = 	snop  }
0x6: {  	_ = 	snop  }
0x7: {  	_ = 	snop  }
__scs_overlays_trampoline_lowered:
0x8: {  	[smem:$0x3FA7] =	sst s0  }
0x9: {  	[smem:$0x3FA8] =	sst s1  }
0xa: {  	[smem:$0x3FA9] =	sst s2  }
0xb: {  	[smem:$0x3FAA] =	sst s3  }
0xc: {  	[smem:$0x3FAB] =	sst s4  }
0xd: {  	[smem:$0x3FAC] =	sst s5  }
0xe: {  	[smem:$0x3FAD] =	sst s6  }
0xf: {  	[smem:$0x3FAE] =	sst s7  }
0x10: {  	[smem:$0x3FAF] =	sst s8  }
0x11: {  	[smem:$0x3FB0] =	sst s9;
	s0 =	simm.s32 @!p0 $0x0  }
0x12: {  	s1 =	sld [smem:$0x3F96];
	s0 =	simm.s32 @p0 $0x1  }
0x13: {  	[smem:$0x3FB1] =	sst s0;
	s0 =	simm.s32 @!p1 $0x0  }
0x14: {  	s2 =	sld [smem:$0x3F95];
	s0 =	simm.s32 @p1 $0x1  }
0x15: {  	[smem:$0x3FB2] =	sst s0;
	s0 =	simm.s32 @!p2 $0x0  }
0x16: {  	s3 =	sld [smem:$0x3FDB];
	s0 =	simm.s32 @p2 $0x1  }
0x17: {  	s4 =	simm.s32 $0x1BF5;
	[smem:$0x3FB4] =	sst s0  }
0x18: {  	s0 =	sld [smem:$0x3F97];
	_ =	swait.ge [sflag:s4], $0x0  }
0x19: {  	s7 =	sld [smem:$0x3F98]  }
0x1a: {  	s8 =	sadd.s32 $0xFFFFE003, lr  }
0x1b: {  	s9 =	sadd.s32 $0xFFFFFEF7, lr;
	s5 =	simm.s32 $0xFFFFFFFF;
	p2 =	slt.u32 s8, $0xFFFFF086  }
0x1c: {  	p1 =	slt.u32 s9, $0xF7A;
	s5 =	simm.s32 @!p2 $0x0  }
0x1d: {  	s5 =	simm.s32 @p1 $0x1;
	p0 =	seq.s32 s7, s2  }
0x1e: {  	s7 =	smul.u32 @!p0 $0xF7A, s2;
	p2 =	seq.s32 @!p0 s5, $0x0  }
0x1f: {  	s9 =	smul.u32 $0xF7A, s1;
	s8 =	simm.s32 @!p0 $0x1BF5;
	p2 =	por !p2, p0  }
0x20: {  	[sflag:s8] =	ssyncset.s32 @!p0 $0xFFFFF086;
	s6 =	sadd.s32 @!p0 s3, s7;
	s7 =	simm.s32 @!p0 $0x108  }
0x21: {  	s3 =	sadd.s32 s3, s9;
	s6 =	sadd.s32 @!p0 $0x88, s6;
	s7 =	simm.s32 @p2 $0x1082  }
0x22: {  	[simem:s7], [sflag:s8] =	dma.local @!p0 [hbm:s6], $0xF7A  }
0x23: {  	s9 =	sor.u32 $0xD0000000, s2;
	s6 =	simm.s32 $0x108;
	_ =	swait.ge @!p0 [sflag:s8], $0x0  }
0x24: {  	s3 =	sadd.s32 $0x88, s3;
	s6 =	simm.s32 @!p1 $0x1082;
	[sflag:s4] =	ssyncset.s32 $0xFFFFF086  }
0x25: {  	[simem:s6], [sflag:s4] =	dma.local [hbm:s3], $0xF7A  }
0x26: {  	[smem:$0x3F98] =	sst s1;
	(tag) =	ssettag s2;
	_ =	strace s9  }
0x27: {  	s1 =	sld [smem:$0x3FA8]  }
0x28: {  	s2 =	sld [smem:$0x3FA9]  }
0x29: {  	s4 =	sld [smem:$0x3FAB]  }
0x2a: {  	p0 =	seq.s32 s5, $0x0;
	s5 =	sld [smem:$0x3FAC]  }
0x2b: {  	s6 =	sld [smem:$0x3FAD]  }
0x2c: {  	s7 =	sld [smem:$0x3FAE]  }
0x2d: {  	s3 =	simm.s32 $0x108;
	s8 =	sld [smem:$0x3FAF]  }
0x2e: {  	s3 =	simm.s32 @!p0 $0x1082;
	s9 =	sld [smem:$0x3FB0]  }
0x2f: {  	lr =	sadd.s32 s0, s3;
	s0 =	sld [smem:$0x3FA7]  }
0x30: {  	s3 =	sld [smem:$0x3FAA]  }
0x31: {  	[smem:$0x3FB3] =	sst s10  }
0x32: {  	s10 =	sld [smem:$0x3FB1];
	_ =	sdelay $0x3  }
0x33: {  	p0 =	seq.s32 s10, $0x1;
	s10 =	sld [smem:$0x3FB3];
	_ =	sdelay $0x3  }
0x34: {  	[smem:$0x3FB3] =	sst s10  }
0x35: {  	s10 =	sld [smem:$0x3FB2];
	_ =	sdelay $0x3  }
0x36: {  	p1 =	seq.s32 s10, $0x1;
	s10 =	sld [smem:$0x3FB3];
	_ =	sdelay $0x3  }
0x37: {  	[smem:$0x3FB3] =	sst s10  }
0x38: {  	s10 =	sld [smem:$0x3FB4]  }
0x39: {  	_ = 	snop;
	(pc) =	sbr.ind lr, $3  }
0x3a: {  	_ = 	snop  }
0x3b: {  	_ = 	snop  }
0x3c: {  	p2 =	seq.s32 s10, $0x1;
	s10 =	sld [smem:$0x3FB3]  }
0x3d: {  	_ =	shalt  }
0x3e: {  	_ =	shalt  }
0x3f: {  	_ =	shalt  }
0x40: {  	_ =	shalt  }
0x41: {  	_ =	shalt  }
0x42: {  	_ =	shalt  }
0x43: {  	_ =	shalt  }
0x44: {  	_ =	shalt  }
0x45: {  	_ =	shalt  }
0x46: {  	_ =	shalt  }
0x47: {  	_ =	shalt  }
0x48: {  	_ =	shalt  }
0x49: {  	_ =	shalt  }
0x4a: {  	_ =	shalt  }
0x4b: {  	_ =	shalt  }
0x4c: {  	_ =	shalt  }
0x4d: {  	_ =	shalt  }
0x4e: {  	_ =	shalt  }
0x4f: {  	_ =	shalt  }
0x50: {  	_ =	shalt  }
0x51: {  	_ =	shalt  }
0x52: {  	_ =	shalt  }
0x53: {  	_ =	shalt  }
0x54: {  	_ =	shalt  }
0x55: {  	_ =	shalt  }
0x56: {  	_ =	shalt  }
0x57: {  	_ =	shalt  }
0x58: {  	_ =	shalt  }
0x59: {  	_ =	shalt  }
0x5a: {  	_ =	shalt  }
0x5b: {  	_ =	shalt  }
0x5c: {  	_ =	shalt  }
0x5d: {  	_ =	shalt  }
0x5e: {  	_ =	shalt  }
0x5f: {  	_ =	shalt  }
0x60: {  	_ =	shalt  }
0x61: {  	_ =	shalt  }
0x62: {  	_ =	shalt  }
0x63: {  	_ =	shalt  }
0x64: {  	_ =	shalt  }
0x65: {  	_ =	shalt  }
0x66: {  	_ =	shalt  }
0x67: {  	_ =	shalt  }
0x68: {  	_ =	shalt  }
0x69: {  	_ =	shalt  }
0x6a: {  	_ =	shalt  }
0x6b: {  	_ =	shalt  }
0x6c: {  	_ =	shalt  }
0x6d: {  	_ =	shalt  }
0x6e: {  	_ =	shalt  }
0x6f: {  	_ =	shalt  }
0x70: {  	_ =	shalt  }
0x71: {  	_ =	shalt  }
0x72: {  	_ =	shalt  }
0x73: {  	_ =	shalt  }
0x74: {  	_ =	shalt  }
0x75: {  	_ =	shalt  }
0x76: {  	_ =	shalt  }
0x77: {  	_ =	shalt  }
0x78: {  	_ =	shalt  }
0x79: {  	_ =	shalt  }
0x7a: {  	_ =	shalt  }
0x7b: {  	_ =	shalt  }
0x7c: {  	_ =	shalt  }
0x7d: {  	_ =	shalt  }
0x7e: {  	_ =	shalt  }
0x7f: {  	_ =	shalt  }
0x80: {  	_ =	shalt  }
0x81: {  	_ =	shalt  }
0x82: {  	_ =	shalt  }
0x83: {  	_ =	shalt  }
0x84: {  	_ =	shalt  }
0x85: {  	_ =	shalt  }
0x86: {  	_ =	shalt  }
0x87: {  	_ =	shalt  }
.Lfunc_end0:
.L_simem_size_0:
called_computation_lowered:
.L_overlay_start_0:
0x88: {  	s2 =	sld [smem:$0x3FD9]  }
0x89: {  	s3 =	sld [smem:$0x3FFE];
	_ =	sdelay $0x1  }
0x8a: {  	s1 =	srdreg.scid  }
0x8b: {  	s0 =	sand.u32 $0x1, s1  }
0x8c: {  	s17 =	sshll.u32 s0, $0xA;
	s2 =	sadd.s32 s3, s2  }
0x8d: {  	s2 =	sadd.s32 s2, s17  }
0x8e: {  	[smem:$0x3FBF] =	sst s2  }
0x8f: {  	_ = 	snop  }
0x90: {  	s2 =	sld [smem:$0x3FD0];
	(tm) =	ssettm $0x1  }
0x91: {  	s18 =	sld [smem:$0x3FFB];
	_ =	sdelay $0x3  }
0x92: {  	_ =	strace s18  }
0x93: {  	s3 =	sld [smem:$0x3FFC];
	_ =	sdelay $0x3  }
0x94: {  	_ =	strace s3  }
0x95: {  	s3 =	sld [smem:$0x3FFD];
	_ =	sdelay $0x3  }
0x96: {  	_ =	strace s3  }
0x97: {  	_ =	strace $0x8FFFFFFF  }
0x98: {  	s19 =	sld [smem:$0x3FDB];
	_ =	sdelay $0x1  }
0x99: {  	s4 =	simm.s32 $_scs_section_size  }
0x9a: {  	s5 =	simm.s32 $_size__tile_overlayer_lowered;
	s6 =	simm.s32 $_tile_overlayer_lowered  }
0x9b: {  	s22 =	simm.s32 $0x1BFF;
	s21 =	sshll.u32 s6, $0x1;
	s3 =	sadd.s32 s4, s19  }
0x9c: {  	s7 =	simm.s32 $0x0;
	s20 =	sshll.u32 s5, $0x1;
	s5 =	sadd.s32 s21, s3  }
0x9d: {  	[timem:s7], [sflag:s22] =	dma.local [hbm:s5], s20  }
0x9e: {  	_ =	swait.ge [sflag:s22], s20  }
0x9f: {  	s4 =	ssub.s32 $0x0, s20;
	[sflag:s22] =	ssyncset.done $0x0  }
0xa0: {  	[sflag:s22] =	ssyncadd.s32 s4;
	_ =	sdelay $0x1  }
0xa1: {  	s23 =	simm.s32 $0x1B8B  }
0xa2: {  	_ =	swait.ge [sflag:s23], $0x1  }
0xa3: {  	[sflag:s23] =	ssyncset.done $0x0  }
0xa4: {  	s25 =	simm.s32 $0x1B8E;
	s24 =	sld [smem:$0x3FFE];
	[sflag:s23] =	ssyncadd.s32 $0xFFFFFFFF  }
0xa5: {  	s26 =	simm.s32 $execute0_lowered;
	[smem:$0x3FD2] =	sst s25  }
0xa6: {  	s5 =	sshll.u32 s26, $0x1;
	_ =	strace $0x80000046;
	[dreg:$0x1] =	wrdreg $0xFFFFFFFF  }
0xa7: {  	s28 =	simm.s32 $_size_execute0_lowered;
	s3 =	sadd.s32 s3, s5;
	[dreg:$0x0] =	wrdreg $0x0  }
0xa8: {  	s5 =	sshll.u32 s28, $0x1;
	[dreg:$0x2] =	wrdreg s3  }
0xa9: {  	[dreg:$0x3] =	wrdreg s5  }
0xaa: {  	[dreg:$0x4] =	wrdreg $0xC0  }
0xab: {  	_ =	task [dreg:s7], $0x5FFFF  }
0xac: {  	[dreg:$0x1] =	wrdreg $0xFFFFFFFF  }
0xad: {  	[dreg:$0x0] =	wrdreg $0x60  }
0xae: {  	[dreg:$0x2] =	wrdreg s24  }
0xaf: {  	[dreg:$0x3] =	wrdreg s2  }
0xb0: {  	[dreg:$0x4] =	wrdreg $0x9  }
0xb1: {  	_ =	task.clear_ibuf [dreg:s7], $0x5FFFF;
	_ =	strace $0x90000046  }
0xb2: {  	s29 =	simm.s32 $0x9;
	_ =	strace $0x80000048  }
0xb3: {  	_ =	swait.ge [sflag:s29], $0x1  }
0xb4: {  	[sflag:s29] =	ssyncadd.s32 $0xFFFFFFFF  }
0xb5: {  	_ =	strace $0x90000048  }
0xb6: {  	_ =	sfence  }
0xb7: {  	s30 =	sld [smem:$0x0];
	_ =	sdelay $0x2  }
0xb8: {  	s31 =	sshll.u32 s1, $0xD;
	s1 =	sshrl.u32 s1, $0x2  }
0xb9: {  	s3 =	sand.u32 $0x4000, s31;
	s1 =	sadd.s32 s1, s30  }
0xba: {  	s0 =	sor.u32 s3, s0;
	s1 =	sshll.u32 s1, $0x11  }
0xbb: {  	s0 =	sor.u32 s1, s0  }
0xbc: {  	s0 =	sadd.s32 $0x8F2B, s0  }
0xbd: {  	[sflag:s0] =	ssyncadd.remote.s32 $0x1  }
0xbe: {  	_ =	sfence.sel $0xFFFF  }
0xbf: {  	[dreg:$0x0] =	wrdreg $0xFFFFFFFF;
	(pc) =	sbr.abs _section_cstart, $3  }
0xc0: {  	[dreg:$0x1] =	wrdreg $0xFFFFFFFF  }
0xc1: {  	_ =	task.clear_ibuf [dreg:s7], $0x2FFFF;
	_ =	strace $0x9FFFFFFF  }
0xc2: {  	(tm) =	ssettm $0x7FFFFFFF  }
0xc3: {  	_ =	shalt  }
tec
execute0_lowered:
.L_overlay_start_1:
0x0: {  	(tag) =	ssettag $0x1  }
0x1: {  	s0 =	srdreg.scid;
	s3 =	rddreg [dreg:$0x0]  }
0x2: {  	s5 =	rddreg [dreg:$0x1];
	s4 =	sand.u32 $0x1, s0  }
0x3: {  	s1 =	stileid.u32;
	s9 =	simm.s32 $0x5000;
	s2 =	sshll.u32 s4, $0x4  }
0x4: {  	s10 =	simm.s32 $0x7800;
	s0 =	rddreg [dreg:$0x2];
	s6 =	sor.u32 s1, s2  }
0x5: {  	s4 =	ssub.s32 $0x2, s4;
	s2 =	simm.s32 $0x0;
	s6 =	smul.u32 $0x500, s6  }
0x6: {  	s11 =	simm.s32 $0x0;
	s7 =	sshrl.u32 s4, $0x1;
	[smem:$0x7FF] =	sst s2  }
0x7: {  	s7 =	ssub.s32 s4, s7;
	_ =	strace $0x80000047;
	s8 =	sadd.s32 s6, s3  }
0x8: {  	s7 =	smax.u32 s7, $0x1;
	s4 =	sadd.s32 s5, s6;
	s3 =	sadd.s32 $0x2C00, s8  }
0x9: {  	v0 =	vlaneseq.u32;
	s5 =	sadd.s32 $0xCC00, s8;
	s6 =	sadd.s32 $0x16C00, s8;
	s8 =	simm.s32 $0x1  }
.LBB2_1:
0xa: {  	[tilespmem:s2], [sflag:$0x1] =	stream.linear.gather [hbm4b:s3+s2], $0x2800, $0x38;
	[tilespmem:$0xA000] =	vst v63  }
0xb: {  	_ =	swait.ge [sflag:s8], $0x2800  }
0xc: {  	[sflag:s8] =	ssyncset.done $0x0  }
0xd: {  	s12 =	simm.s32 $0x2800;
	[sflag:s8] =	ssyncadd.s32 $0xFFFFD800  }
0xe: {  	[tilespmem:s12], [sflag:$0x1] =	stream.linear.gather [hbm4b:s4+s2], $0x2800, $0x38;
	[tilespmem:$0xA000] =	vst v63  }
0xf: {  	s13 =	simm.s32 $0x2710;
	s14 =	simm.s32 $0x0;
	_ =	swait.ge [sflag:s8], $0x2800  }
0x10: {  	s15 =	simm.s32 $0x0;
	s16 =	simm.s32 $0x5000;
	[sflag:s8] =	ssyncset.done $0x0  }
0x11: {  	s17 =	simm.s32 $0x7800;
	s18 =	simm.s32 $0x0;
	[sflag:s8] =	ssyncadd.s32 $0xFFFFD800  }
.LBB2_2:
0x12: {  	v3 =	vmov s12  }
0x13: {  	v4 =	vmov s15;
	_ =	sdelay $0x2  }
0x14: {  	s20 =	simm.s32 $0x0  }
0x15: {  	s19 =	smulhi.u32 $0x88888889, s14;
	v5 =	vld.idx.msk [tilespmem:v3+s20+$0x0 ss:$0x1], $0xffff  }
0x16: {  	v6 =	vld.idx.msk [tilespmem:v4+s20+$0x0 ss:$0x1], $0xffff  }
0x17: {  	s19 =	sshrl.u32 s19, $0x3  }
0x18: {  	v2 =	vmov s16;
	s19 =	smul.u32 $0xF0, s19  }
0x19: {  	v1 =	vmov s17  }
0x1a: {  	s19 =	ssub.s32 s13, s19  }
0x1b: {  	v7 =	vor.u32 s19, v0;
	vm0 =	veq.s32 v6, v5  }
0x1c: {  	v6 =	vsel vm0, v7, v6  }
0x1d: {  	v5 =	vsel vm0, v7, v5;
	[tilespmem:v2+s20+$0x0 ss:$0x1] =	vst.idx.msk $0xffff, v6  }
0x1e: {  	s19 =	simm.s32 $0x10;
	[tilespmem:v1+s20+$0x0 ss:$0x1] =	vst.idx.msk $0xffff, v5  }
0x1f: {  	s20 =	sadd.s32 $0x1, s14;
	v5 =	vld.idx.msk [tilespmem:v3+s19+$0x0 ss:$0x1], $0xffff  }
0x20: {  	s22 =	simm.s32 $0x80;
	s21 =	smov.u32 s13;
	s23 =	smulhi.u32 $0x88888889, s20;
	v6 =	vld.idx.msk [tilespmem:v4+s19+$0x0 ss:$0x1], $0xffff  }
.LBB2_3:
0x21: {  	p0 =	sne.s32 s22, $0x1C0  }
0x22: {  	s23 =	sshrl.u32 s23, $0x3  }
0x23: {  	s23 =	smul.u32 $0xF0, s23  }
0x24: {  	s21 =	sadd.s32 $0x10, s21  }
0x25: {  	s23 =	ssub.s32 s21, s23  }
0x26: {  	vm0 =	veq.s32 v6, v5;
	v7 =	vor.u32 s23, v0  }
.Ltmp0:
0x27: {  	v6 =	vsel vm0, v7, v6;
	v5 =	vsel vm0, v7, v5;
	(pc) =	sbr.rel @p0 .LBB2_3-.Ltmp0, $4  }
0x28: {  	[tilespmem:v2+s19+$0x0 ss:$0x1] =	vst.idx.msk $0xffff, v6  }
0x29: {  	[tilespmem:v1+s19+$0x0 ss:$0x1] =	vst.idx.msk $0xffff, v5;
	s19 =	sshra.s32 s22, $0x2  }
0x2a: {  	s20 =	sadd.s32 $0x1, s20;
	v5 =	vld.idx.msk [tilespmem:v3+s19+$0x0 ss:$0x1], $0xffff  }
0x2b: {  	s23 =	smulhi.u32 $0x88888889, s20;
	s22 =	sadd.s32 $0x40, s22;
	v6 =	vld.idx.msk [tilespmem:v4+s19+$0x0 ss:$0x1], $0xffff  }
0x2c: {  	_ = 	snop  }
0x2d: {  	s20 =	sshrl.u32 s23, $0x3  }
0x2e: {  	s18 =	sadd.s32 $0x1, s18;
	s20 =	smul.u32 $0xF0, s20  }
0x2f: {  	s21 =	sadd.s32 $0x10, s21;
	p0 =	sne.s32 s18, $0x50  }
.Ltmp1:
0x30: {  	s20 =	ssub.s32 s21, s20;
	(pc) =	sbr.rel @p0 .LBB2_2-.Ltmp1, $4  }
0x31: {  	vm0 =	veq.s32 v6, v5;
	v3 =	vor.u32 s20, v0  }
0x32: {  	v4 =	vsel vm0, v3, v6  }
0x33: {  	s17 =	sadd.s32 $0x80, s17;
	s16 =	sadd.s32 $0x80, s16;
	s12 =	sadd.s32 $0x80, s12;
	v3 =	vsel vm0, v3, v5;
	[tilespmem:v2+s19+$0x0 ss:$0x1] =	vst.idx.msk $0xffff, v4  }
0x34: {  	s15 =	sadd.s32 $0x80, s15;
	s13 =	sadd.s32 $0x80, s13;
	s14 =	sadd.s32 $0x8, s14;
	[tilespmem:v1+s19+$0x0 ss:$0x1] =	vst.idx.msk $0xffff, v3  }
0x35: {  	[hbm4b:s5+s2] =	stream.linear.scatter [tilespmem:s9], [sflag:$0x1], $0x2800, $0x38;
	[tilespmem:$0xA000] =	vst v63  }
0x36: {  	s11 =	sadd.s32 $0x1, s11;
	_ =	swait.ge [sflag:s8], $0x2800  }
0x37: {  	p0 =	sne.s32 s11, s7;
	[sflag:s8] =	ssyncset.done $0x0  }
.Ltmp2:
0x38: {  	[sflag:s8] =	ssyncadd.s32 $0xFFFFD800;
	(pc) =	sbr.rel @p0 .LBB2_1-.Ltmp2, $4  }
0x39: {  	[hbm4b:s6+s2] =	stream.linear.scatter [tilespmem:s10], [sflag:$0x1], $0x2800, $0x38;
	[tilespmem:$0xA000] =	vst v63  }
0x3a: {  	_ =	swait.ge [sflag:s8], $0x2800  }
0x3b: {  	[sflag:s8] =	ssyncset.done $0x0  }
0x3c: {  	[sflag:s8] =	ssyncadd.s32 $0xFFFFD800  }
0x3d: {  	_ =	sfence.sel $0x180000  }
0x3e: {  	[bflag:$0x0] =	sbarrier.arrive $0xFFFF  }
0x3f: {  	p0 =	sne.s32 s1, $0x0;
	_ =	strace $0x90000047  }
0x40: {  	s0 =	sadd.s32 @!p0 $0x100000, s0;
	[bflag:$0x2] =	sbarrier.arrive $0xFFFF  }
0x41: {  	[sflag:s0] =	ssyncadd.tile.s32 @!p0 $0x1;
	_ =	shalt  }
.Lfunc_end2:
_tile_overlayer_lowered:
.L_overlay_start_2:
0x42: {  	(tag) =	ssettag $0x2  }
0x43: {  	s0 =	rddreg [dreg:$0x0];
	s2 =	stileid.u32  }
0x44: {  	s1 =	rddreg [dreg:$0x1];
	p0 =	sne.s32 s2, $0x0  }
0x45: {  	s3 =	rddreg [dreg:$0x2];
	[bflag:$0x3] =	sbarrier.arrive $0xFFFF;
	s2 =	simm.s32 @!p0 $0x1C01  }
0x46: {  	[timem:s3], [sflag:s2] =	dma.local @!p0 [hbm:s0], s1  }
0x47: {  	s0 =	simm.s32 @!p0 $0x1  }
0x48: {  	_ =	swait.ge @!p0 [sflag:s0], s1  }
0x49: {  	s1 =	ssub.s32 @!p0 $0x0, s1;
	[sflag:s0] =	ssyncset.done @!p0 $0x0  }
0x4a: {  	[sflag:s0] =	ssyncadd.s32 @!p0 s1  }
0x4b: {  	[bflag:$0x3] =	sbarrier.arrive $0xFFFF  }
0x4c: {  	_ =	shalt  }

// kernel: kernel.13.cloned.1.call-start
scs
__scs_entry_jumppad:
0x0: {  	(pc) =	sbr.rel $0x88, $3  }
0x1: {  	(tag) =	ssettag $0x0;
	lr =	simm.s32 $0x1  }
0x2: {  	[smem:$0x3F98] =	sst lr;
	_ =	strace $0xD0000000  }
0x3: {  	_ = 	snop  }
0x4: {  	_ = 	snop  }
0x5: {  	_ = 	snop  }
0x6: {  	_ = 	snop  }
0x7: {  	_ = 	snop  }
__scs_overlays_trampoline_lowered:
0x8: {  	[smem:$0x3FA7] =	sst s0  }
0x9: {  	[smem:$0x3FA8] =	sst s1  }
0xa: {  	[smem:$0x3FA9] =	sst s2  }
0xb: {  	[smem:$0x3FAA] =	sst s3  }
0xc: {  	[smem:$0x3FAB] =	sst s4  }
0xd: {  	[smem:$0x3FAC] =	sst s5  }
0xe: {  	[smem:$0x3FAD] =	sst s6  }
0xf: {  	[smem:$0x3FAE] =	sst s7  }
0x10: {  	[smem:$0x3FAF] =	sst s8  }
0x11: {  	[smem:$0x3FB0] =	sst s9;
	s0 =	simm.s32 @!p0 $0x0  }
0x12: {  	s1 =	sld [smem:$0x3F96];
	s0 =	simm.s32 @p0 $0x1  }
0x13: {  	[smem:$0x3FB1] =	sst s0;
	s0 =	simm.s32 @!p1 $0x0  }
0x14: {  	s2 =	sld [smem:$0x3F95];
	s0 =	simm.s32 @p1 $0x1  }
0x15: {  	[smem:$0x3FB2] =	sst s0;
	s0 =	simm.s32 @!p2 $0x0  }
0x16: {  	s3 =	sld [smem:$0x3FDB];
	s0 =	simm.s32 @p2 $0x1  }
0x17: {  	s4 =	simm.s32 $0x1BF5;
	[smem:$0x3FB4] =	sst s0  }
0x18: {  	s0 =	sld [smem:$0x3F97];
	_ =	swait.ge [sflag:s4], $0x0  }
0x19: {  	s7 =	sld [smem:$0x3F98]  }
0x1a: {  	s8 =	sadd.s32 $0xFFFFE003, lr  }
0x1b: {  	s9 =	sadd.s32 $0xFFFFFEF7, lr;
	s5 =	simm.s32 $0xFFFFFFFF;
	p2 =	slt.u32 s8, $0xFFFFF086  }
0x1c: {  	p1 =	slt.u32 s9, $0xF7A;
	s5 =	simm.s32 @!p2 $0x0  }
0x1d: {  	s5 =	simm.s32 @p1 $0x1;
	p0 =	seq.s32 s7, s2  }
0x1e: {  	s7 =	smul.u32 @!p0 $0xF7A, s2;
	p2 =	seq.s32 @!p0 s5, $0x0  }
0x1f: {  	s9 =	smul.u32 $0xF7A, s1;
	s8 =	simm.s32 @!p0 $0x1BF5;
	p2 =	por !p2, p0  }
0x20: {  	[sflag:s8] =	ssyncset.s32 @!p0 $0xFFFFF086;
	s6 =	sadd.s32 @!p0 s3, s7;
	s7 =	simm.s32 @!p0 $0x108  }
0x21: {  	s3 =	sadd.s32 s3, s9;
	s6 =	sadd.s32 @!p0 $0x88, s6;
	s7 =	simm.s32 @p2 $0x1082  }
0x22: {  	[simem:s7], [sflag:s8] =	dma.local @!p0 [hbm:s6], $0xF7A  }
0x23: {  	s9 =	sor.u32 $0xD0000000, s2;
	s6 =	simm.s32 $0x108;
	_ =	swait.ge @!p0 [sflag:s8], $0x0  }
0x24: {  	s3 =	sadd.s32 $0x88, s3;
	s6 =	simm.s32 @!p1 $0x1082;
	[sflag:s4] =	ssyncset.s32 $0xFFFFF086  }
0x25: {  	[simem:s6], [sflag:s4] =	dma.local [hbm:s3], $0xF7A  }
0x26: {  	[smem:$0x3F98] =	sst s1;
	(tag) =	ssettag s2;
	_ =	strace s9  }
0x27: {  	s1 =	sld [smem:$0x3FA8]  }
0x28: {  	s2 =	sld [smem:$0x3FA9]  }
0x29: {  	s4 =	sld [smem:$0x3FAB]  }
0x2a: {  	p0 =	seq.s32 s5, $0x0;
	s5 =	sld [smem:$0x3FAC]  }
0x2b: {  	s6 =	sld [smem:$0x3FAD]  }
0x2c: {  	s7 =	sld [smem:$0x3FAE]  }
0x2d: {  	s3 =	simm.s32 $0x108;
	s8 =	sld [smem:$0x3FAF]  }
0x2e: {  	s3 =	simm.s32 @!p0 $0x1082;
	s9 =	sld [smem:$0x3FB0]  }
0x2f: {  	lr =	sadd.s32 s0, s3;
	s0 =	sld [smem:$0x3FA7]  }
0x30: {  	s3 =	sld [smem:$0x3FAA]  }
0x31: {  	[smem:$0x3FB3] =	sst s10  }
0x32: {  	s10 =	sld [smem:$0x3FB1];
	_ =	sdelay $0x3  }
0x33: {  	p0 =	seq.s32 s10, $0x1;
	s10 =	sld [smem:$0x3FB3];
	_ =	sdelay $0x3  }
0x34: {  	[smem:$0x3FB3] =	sst s10  }
0x35: {  	s10 =	sld [smem:$0x3FB2];
	_ =	sdelay $0x3  }
0x36: {  	p1 =	seq.s32 s10, $0x1;
	s10 =	sld [smem:$0x3FB3];
	_ =	sdelay $0x3  }
0x37: {  	[smem:$0x3FB3] =	sst s10  }
0x38: {  	s10 =	sld [smem:$0x3FB4]  }
0x39: {  	_ = 	snop;
	(pc) =	sbr.ind lr, $3  }
0x3a: {  	_ = 	snop  }
0x3b: {  	_ = 	snop  }
0x3c: {  	p2 =	seq.s32 s10, $0x1;
	s10 =	sld [smem:$0x3FB3]  }
0x3d: {  	_ =	shalt  }
0x3e: {  	_ =	shalt  }
0x3f: {  	_ =	shalt  }
0x40: {  	_ =	shalt  }
0x41: {  	_ =	shalt  }
0x42: {  	_ =	shalt  }
0x43: {  	_ =	shalt  }
0x44: {  	_ =	shalt  }
0x45: {  	_ =	shalt  }
0x46: {  	_ =	shalt  }
0x47: {  	_ =	shalt  }
0x48: {  	_ =	shalt  }
0x49: {  	_ =	shalt  }
0x4a: {  	_ =	shalt  }
0x4b: {  	_ =	shalt  }
0x4c: {  	_ =	shalt  }
0x4d: {  	_ =	shalt  }
0x4e: {  	_ =	shalt  }
0x4f: {  	_ =	shalt  }
0x50: {  	_ =	shalt  }
0x51: {  	_ =	shalt  }
0x52: {  	_ =	shalt  }
0x53: {  	_ =	shalt  }
0x54: {  	_ =	shalt  }
0x55: {  	_ =	shalt  }
0x56: {  	_ =	shalt  }
0x57: {  	_ =	shalt  }
0x58: {  	_ =	shalt  }
0x59: {  	_ =	shalt  }
0x5a: {  	_ =	shalt  }
0x5b: {  	_ =	shalt  }
0x5c: {  	_ =	shalt  }
0x5d: {  	_ =	shalt  }
0x5e: {  	_ =	shalt  }
0x5f: {  	_ =	shalt  }
0x60: {  	_ =	shalt  }
0x61: {  	_ =	shalt  }
0x62: {  	_ =	shalt  }
0x63: {  	_ =	shalt  }
0x64: {  	_ =	shalt  }
0x65: {  	_ =	shalt  }
0x66: {  	_ =	shalt  }
0x67: {  	_ =	shalt  }
0x68: {  	_ =	shalt  }
0x69: {  	_ =	shalt  }
0x6a: {  	_ =	shalt  }
0x6b: {  	_ =	shalt  }
0x6c: {  	_ =	shalt  }
0x6d: {  	_ =	shalt  }
0x6e: {  	_ =	shalt  }
0x6f: {  	_ =	shalt  }
0x70: {  	_ =	shalt  }
0x71: {  	_ =	shalt  }
0x72: {  	_ =	shalt  }
0x73: {  	_ =	shalt  }
0x74: {  	_ =	shalt  }
0x75: {  	_ =	shalt  }
0x76: {  	_ =	shalt  }
0x77: {  	_ =	shalt  }
0x78: {  	_ =	shalt  }
0x79: {  	_ =	shalt  }
0x7a: {  	_ =	shalt  }
0x7b: {  	_ =	shalt  }
0x7c: {  	_ =	shalt  }
0x7d: {  	_ =	shalt  }
0x7e: {  	_ =	shalt  }
0x7f: {  	_ =	shalt  }
0x80: {  	_ =	shalt  }
0x81: {  	_ =	shalt  }
0x82: {  	_ =	shalt  }
0x83: {  	_ =	shalt  }
0x84: {  	_ =	shalt  }
0x85: {  	_ =	shalt  }
0x86: {  	_ =	shalt  }
0x87: {  	_ =	shalt  }
.Lfunc_end0:
.L_simem_size_0:
called_computation.1_lowered:
.L_overlay_start_0:
0x88: {  	s2 =	sld [smem:$0x3FD9]  }
0x89: {  	s3 =	sld [smem:$0x3FFE];
	_ =	sdelay $0x1  }
0x8a: {  	s1 =	srdreg.scid  }
0x8b: {  	s0 =	sand.u32 $0x1, s1  }
0x8c: {  	s17 =	sshll.u32 s0, $0xA;
	s2 =	sadd.s32 s3, s2  }
0x8d: {  	s2 =	sadd.s32 s2, s17  }
0x8e: {  	[smem:$0x3FBF] =	sst s2  }
0x8f: {  	_ = 	snop  }
0x90: {  	s2 =	sld [smem:$0x3FD0];
	(tm) =	ssettm $0x1  }
0x91: {  	s18 =	sld [smem:$0x3FFB];
	_ =	sdelay $0x3  }
0x92: {  	_ =	strace s18  }
0x93: {  	s3 =	sld [smem:$0x3FFC];
	_ =	sdelay $0x3  }
0x94: {  	_ =	strace s3  }
0x95: {  	s3 =	sld [smem:$0x3FFD];
	_ =	sdelay $0x3  }
0x96: {  	_ =	strace s3  }
0x97: {  	_ =	strace $0x8FFFFFFF  }
0x98: {  	s19 =	sld [smem:$0x3FDB];
	_ =	sdelay $0x1  }
0x99: {  	s4 =	simm.s32 $_scs_section_size  }
0x9a: {  	s5 =	simm.s32 $_size__tile_overlayer_lowered;
	s6 =	simm.s32 $_tile_overlayer_lowered  }
0x9b: {  	s22 =	simm.s32 $0x1BFF;
	s21 =	sshll.u32 s6, $0x1;
	s3 =	sadd.s32 s4, s19  }
0x9c: {  	s7 =	simm.s32 $0x0;
	s20 =	sshll.u32 s5, $0x1;
	s5 =	sadd.s32 s21, s3  }
0x9d: {  	[timem:s7], [sflag:s22] =	dma.local [hbm:s5], s20  }
0x9e: {  	_ =	swait.ge [sflag:s22], s20  }
0x9f: {  	s4 =	ssub.s32 $0x0, s20;
	[sflag:s22] =	ssyncset.done $0x0  }
0xa0: {  	[sflag:s22] =	ssyncadd.s32 s4;
	_ =	sdelay $0x1  }
0xa1: {  	s23 =	simm.s32 $0x1B8B  }
0xa2: {  	_ =	swait.ge [sflag:s23], $0x1  }
0xa3: {  	[sflag:s23] =	ssyncset.done $0x0  }
0xa4: {  	s25 =	simm.s32 $0x1B8E;
	s24 =	sld [smem:$0x3FFE];
	[sflag:s23] =	ssyncadd.s32 $0xFFFFFFFF  }
0xa5: {  	s26 =	simm.s32 $execute0_lowered;
	[smem:$0x3FD2] =	sst s25  }
0xa6: {  	s5 =	sshll.u32 s26, $0x1;
	_ =	strace $0x80000049;
	[dreg:$0x1] =	wrdreg $0xFFFFFFFF  }
0xa7: {  	s28 =	simm.s32 $_size_execute0_lowered;
	s3 =	sadd.s32 s3, s5;
	[dreg:$0x0] =	wrdreg $0x0  }
0xa8: {  	s5 =	sshll.u32 s28, $0x1;
	[dreg:$0x2] =	wrdreg s3  }
0xa9: {  	[dreg:$0x3] =	wrdreg s5  }
0xaa: {  	[dreg:$0x4] =	wrdreg $0xC0  }
0xab: {  	_ =	task [dreg:s7], $0x5FFFF  }
0xac: {  	[dreg:$0x1] =	wrdreg $0xFFFFFFFF  }
0xad: {  	[dreg:$0x0] =	wrdreg $0x60  }
0xae: {  	[dreg:$0x2] =	wrdreg s24  }
0xaf: {  	[dreg:$0x3] =	wrdreg s2  }
0xb0: {  	[dreg:$0x4] =	wrdreg $0x90000  }
0xb1: {  	[dreg:$0x5] =	wrdreg $0x9  }
0xb2: {  	_ =	task.clear_ibuf [dreg:s7], $0x6FFFF;
	_ =	strace $0x90000049  }
0xb3: {  	s29 =	simm.s32 $0x9;
	_ =	strace $0x8000004B  }
0xb4: {  	_ =	swait.ge [sflag:s29], $0x1  }
0xb5: {  	[sflag:s29] =	ssyncadd.s32 $0xFFFFFFFF  }
0xb6: {  	_ =	strace $0x9000004B  }
0xb7: {  	_ =	sfence  }
0xb8: {  	s30 =	sld [smem:$0x0];
	_ =	sdelay $0x2  }
0xb9: {  	s31 =	sshll.u32 s1, $0xD;
	s1 =	sshrl.u32 s1, $0x2  }
0xba: {  	s3 =	sand.u32 $0x4000, s31;
	s1 =	sadd.s32 s1, s30  }
0xbb: {  	s0 =	sor.u32 s3, s0;
	s1 =	sshll.u32 s1, $0x11  }
0xbc: {  	s0 =	sor.u32 s1, s0  }
0xbd: {  	s0 =	sadd.s32 $0x8F2B, s0  }
0xbe: {  	[sflag:s0] =	ssyncadd.remote.s32 $0x1  }
0xbf: {  	_ =	sfence.sel $0xFFFF  }
0xc0: {  	[dreg:$0x0] =	wrdreg $0xFFFFFFFF;
	(pc) =	sbr.abs _section_cstart, $3  }
0xc1: {  	[dreg:$0x1] =	wrdreg $0xFFFFFFFF  }
0xc2: {  	_ =	task.clear_ibuf [dreg:s7], $0x2FFFF;
	_ =	strace $0x9FFFFFFF  }
0xc3: {  	(tm) =	ssettm $0x7FFFFFFF  }
tec
execute0_lowered:
.L_overlay_start_1:
0x0: {  	(tag) =	ssettag $0x1  }
0x1: {  	s6 =	rddreg [dreg:$0x0]  }
0x2: {  	s2 =	rddreg [dreg:$0x1]  }
0x3: {  	s0 =	srdreg.scid;
	s3 =	rddreg [dreg:$0x2]  }
0x4: {  	s4 =	simm.s32 $0x0;
	s14 =	simm.s32 $0x5000;
	s5 =	sand.u32 $0x1, s0  }
0x5: {  	s15 =	simm.s32 $0x1;
	s0 =	stileid.u32;
	s8 =	smul.u32 $0x140000, s5  }
0x6: {  	s16 =	simm.s32 $0x2800;
	s17 =	simm.s32 $0x80;
	s9 =	smul.u32 $0x14000, s0  }
0x7: {  	[smem:$0x7FF] =	sst s4;
	s1 =	sshll.u32 s5, $0x4;
	s10 =	smul.u32 $0x50000, s0  }
0x8: {  	s5 =	ssub.s32 $0x2, s5;
	s18 =	sshll.u32 s0, $0x6;
	s1 =	sor.u32 s0, s1  }
0x9: {  	s31 =	sshrl.u32 s5, $0x1;
	s18 =	sor.u32 $0x1C01, s18;
	s7 =	smul.u32 $0x500, s1  }
0xa: {  	s1 =	rddreg [dreg:$0x3];
	_ =	strace $0x8000004A;
	s8 =	sadd.s32 s9, s8  }
0xb: {  	s10 =	sshrl.u32 s10, $0x2;
	s9 =	ssub.s32 s5, s31;
	s8 =	sshrl.u32 s8, $0x3  }
0xc: {  	s5 =	sadd.s32 s10, s3;
	s9 =	smax.u32 s9, $0x1;
	s7 =	sadd.s32 s7, s6  }
0xd: {  	s8 =	sadd.s32 s8, s6;
	s10 =	sadd.s32 $0x4000, s5;
	s11 =	sadd.s32 $0x8000, s5  }
0xe: {  	s12 =	sadd.s32 $0xC000, s5;
	s13 =	sadd.s32 $0x10000, s5;
	s19 =	sshrl.u32 s5, $0x3  }
0xf: {  	v0 =	vimm.f32 $0.0e+00;
	s6 =	sadd.s32 $0x2C00, s7;
	s7 =	sadd.s32 $0xCC00, s7;
	s8 =	sadd.s32 $0x20C00, s8  }
.LBB2_1:
0x10: {  	s20 =	simm.s32 $0x0;
	s21 =	simm.s32 $0x200  }
.LBB2_2:
0x11: {  	p0 =	sne.s32 s21, $0xFE00;
	[tilespmem:s20+$0x5070] =	vst v0  }
0x12: {  	[tilespmem:s20+$0x5000] =	vst v0  }
0x13: {  	[tilespmem:s20+$0x5010] =	vst v0  }
.Ltmp0:
0x14: {  	[tilespmem:s20+$0x5020] =	vst v0;
	(pc) =	sbr.rel @p0 .LBB2_2-.Ltmp0, $4  }
0x15: {  	[tilespmem:s20+$0x5030] =	vst v0  }
0x16: {  	[tilespmem:s20+$0x5040] =	vst v0  }
0x17: {  	[tilespmem:s20+$0x5050] =	vst v0  }
0x18: {  	[tilespmem:s20+$0x5060] =	vst v0;
	s20 =	sshra.s32 s21, $0x2;
	s21 =	sadd.s32 $0x200, s21  }
0x19: {  	[tilespmem:s20+$0x5070] =	vst v0  }
0x1a: {  	[tilespmem:s20+$0x5000] =	vst v0  }
0x1b: {  	[tilespmem:s20+$0x5010] =	vst v0  }
0x1c: {  	[tilespmem:s20+$0x5020] =	vst v0  }
0x1d: {  	[tilespmem:s20+$0x5030] =	vst v0  }
0x1e: {  	[tilespmem:s20+$0x5040] =	vst v0  }
0x1f: {  	[tilespmem:s20+$0x5050] =	vst v0  }
0x20: {  	[tilespmem:s20+$0x5060] =	vst v0  }
0x21: {  	[spmem:s5] =	stream.linear.scatter [tilespmem:s14], [sflag:$0x1], $0x4000, $0x38;
	[tilespmem:$0x1D000] =	vst v63  }
0x22: {  	_ =	swait.ge [sflag:s15], $0x4000  }
0x23: {  	[sflag:s15] =	ssyncset.done $0x0  }
0x24: {  	[sflag:s15] =	ssyncadd.s32 $0xFFFFC000  }
0x25: {  	[spmem:s10] =	stream.linear.scatter [tilespmem:s14], [sflag:$0x1], $0x4000, $0x38;
	[tilespmem:$0x1D000] =	vst v63  }
0x26: {  	_ =	swait.ge [sflag:s15], $0x4000  }
0x27: {  	[sflag:s15] =	ssyncset.done $0x0  }
0x28: {  	[sflag:s15] =	ssyncadd.s32 $0xFFFFC000  }
0x29: {  	[spmem:s11] =	stream.linear.scatter [tilespmem:s14], [sflag:$0x1], $0x4000, $0x38;
	[tilespmem:$0x1D000] =	vst v63  }
0x2a: {  	_ =	swait.ge [sflag:s15], $0x4000  }
0x2b: {  	[sflag:s15] =	ssyncset.done $0x0  }
0x2c: {  	[sflag:s15] =	ssyncadd.s32 $0xFFFFC000  }
0x2d: {  	[spmem:s12] =	stream.linear.scatter [tilespmem:s14], [sflag:$0x1], $0x4000, $0x38;
	[tilespmem:$0x1D000] =	vst v63  }
0x2e: {  	_ =	swait.ge [sflag:s15], $0x4000  }
0x2f: {  	[sflag:s15] =	ssyncset.done $0x0  }
0x30: {  	[sflag:s15] =	ssyncadd.s32 $0xFFFFC000  }
0x31: {  	[spmem:s13] =	stream.linear.scatter [tilespmem:s14], [sflag:$0x1], $0x4000, $0x38;
	[tilespmem:$0x1D000] =	vst v63  }
0x32: {  	_ =	swait.ge [sflag:s15], $0x4000  }
0x33: {  	[sflag:s15] =	ssyncset.done $0x0  }
0x34: {  	s29 =	simm.s32 $0x0;
	[sflag:s15] =	ssyncadd.s32 $0xFFFFC000  }
0x35: {  	[tilespmem:s29], [sflag:$0x1] =	stream.linear.gather [hbm4b:s6+s29], $0x2800, $0x38;
	[tilespmem:$0x1D000] =	vst v63  }
0x36: {  	_ =	swait.ge [sflag:s15], $0x2800  }
0x37: {  	[sflag:s15] =	ssyncset.done $0x0  }
0x38: {  	[sflag:s15] =	ssyncadd.s32 $0xFFFFD800  }
0x39: {  	[tilespmem:s16], [sflag:$0x1] =	stream.linear.gather [hbm4b:s7+s29], $0x2800, $0x38;
	[tilespmem:$0x1D000] =	vst v63  }
0x3a: {  	_ =	swait.ge [sflag:s15], $0x2800  }
0x3b: {  	[sflag:s15] =	ssyncset.done $0x0  }
0x3c: {  	[sflag:s15] =	ssyncadd.s32 $0xFFFFD800  }
0x3d: {  	s30 =	simm.s32 $0x0;
	[bflag:$0x0] =	sbarrier.arrive $0xFFFF  }
0x3e: {  	[tilespmem:s14], [sflag:$0x1] =	stream.indirect.gather [hbm4b:s2+s17], $0x80, s30, s17, $0xb8;
	[tilespmem:$0x1D000] =	vst v63  }
0x3f: {  	_ =	swait.ge [sflag:s15], $0x4000  }
0x40: {  	[sflag:s15] =	ssyncset.done $0x0  }
0x41: {  	s31 =	simm.s32 $0x2800;
	[sflag:s15] =	ssyncadd.s32 $0xFFFFC000  }
0x42: {  	[spmem:s3] =	stream.indirect.scatter.add.f32 [tilespmem:s14], [sflag:$0x1], $0x80, s31, s17, $0xb8;
	[tilespmem:$0x1D000] =	vst v63  }
0x43: {  	_ =	swait.ge [sflag:s15], $0x4000  }
0x44: {  	s20 =	simm.s32 $0x200;
	s21 =	simm.s32 $0x400;
	[sflag:s15] =	ssyncset.done $0x0  }
.LBB2_4:
0x45: {  	s22 =	sshra.s32 s20, $0x2  }
0x46: {  	[sflag:s15] =	ssyncadd.s32 $0xFFFFC000;
	s20 =	smov.u32 s21;
	s23 =	sadd.s32 $0x200, s21  }
0x47: {  	[tilespmem:s14], [sflag:$0x1] =	stream.indirect.gather [hbm4b:s2+s17], $0x80, s22, s17, $0xb8;
	[tilespmem:$0x1D000] =	vst v63  }
0x48: {  	p0 =	sne.s32 s21, $0x9E00;
	_ =	swait.ge [sflag:s15], $0x4000  }
.Ltmp1:
0x49: {  	[sflag:s15] =	ssyncset.done $0x0;
	(pc) =	sbr.rel @p0 .LBB2_4-.Ltmp1, $4  }
0x4a: {  	s21 =	sadd.s32 $0x2800, s22;
	[sflag:s15] =	ssyncadd.s32 $0xFFFFC000  }
0x4b: {  	[spmem:s3] =	stream.indirect.scatter.add.f32 [tilespmem:s14], [sflag:$0x1], $0x80, s21, s17, $0xb8;
	[tilespmem:$0x1D000] =	vst v63  }
0x4c: {  	_ =	swait.ge [sflag:s15], $0x4000  }
0x4d: {  	s21 =	smov.u32 s23;
	[sflag:s15] =	ssyncset.done $0x0  }
0x4e: {  	s20 =	sshra.s32 s20, $0x2;
	[sflag:s15] =	ssyncadd.s32 $0xFFFFC000  }
0x4f: {  	[tilespmem:s14], [sflag:$0x1] =	stream.indirect.gather [hbm4b:s2+s17], $0x80, s20, s17, $0xb8;
	[tilespmem:$0x1D000] =	vst v63  }
0x50: {  	_ =	swait.ge [sflag:s15], $0x4000  }
0x51: {  	[sflag:s15] =	ssyncset.done $0x0  }
0x52: {  	s20 =	sadd.s32 $0x2800, s20;
	[sflag:s15] =	ssyncadd.s32 $0xFFFFC000  }
0x53: {  	[spmem:s3] =	stream.indirect.scatter.add.f32 [tilespmem:s14], [sflag:$0x1], $0x80, s20, s17, $0xb8;
	[tilespmem:$0x1D000] =	vst v63  }
0x54: {  	_ =	swait.ge [sflag:s15], $0x4000  }
0x55: {  	s4 =	sadd.s32 $0x1, s4;
	[sflag:s15] =	ssyncset.done $0x0  }
0x56: {  	p0 =	sne.s32 s4, s9;
	[sflag:s15] =	ssyncadd.s32 $0xFFFFC000  }
.Ltmp2:
0x57: {  	[bflag:$0x0] =	sbarrier.arrive $0xFFFF;
	(pc) =	sbr.rel @p0 .LBB2_1-.Ltmp2, $4  }
0x58: {  	[hbm:s8], [sflag:s18] =	dma.local [spmem:s19], $0x2800  }
0x59: {  	_ =	swait.ge [sflag:s15], $0x2800  }
0x5a: {  	[sflag:s15] =	ssyncset.done $0x0  }
0x5b: {  	[sflag:s15] =	ssyncadd.s32 $0xFFFFD800  }
0x5c: {  	_ =	sfence.sel $0x180000  }
0x5d: {  	[bflag:$0x0] =	sbarrier.arrive $0xFFFF  }
0x5e: {  	p0 =	sne.s32 s0, $0x0;
	_ =	strace $0x9000004A  }
0x5f: {  	s0 =	sadd.s32 @!p0 $0x100000, s1;
	[bflag:$0x2] =	sbarrier.arrive $0xFFFF  }
0x60: {  	[sflag:s0] =	ssyncadd.tile.s32 @!p0 $0x1;
	_ =	shalt  }
.Lfunc_end2:
_tile_overlayer_lowered:
.L_overlay_start_2:
0x61: {  	(tag) =	ssettag $0x2  }
0x62: {  	s0 =	rddreg [dreg:$0x0];
	s2 =	stileid.u32  }
0x63: {  	s1 =	rddreg [dreg:$0x1];
	p0 =	sne.s32 s2, $0x0  }
0x64: {  	s3 =	rddreg [dreg:$0x2];
	[bflag:$0x3] =	sbarrier.arrive $0xFFFF;
	s2 =	simm.s32 @!p0 $0x1C01  }
0x65: {  	[timem:s3], [sflag:s2] =	dma.local @!p0 [hbm:s0], s1  }
0x66: {  	s0 =	simm.s32 @!p0 $0x1  }
0x67: {  	_ =	swait.ge @!p0 [sflag:s0], s1  }
0x68: {  	s1 =	ssub.s32 @!p0 $0x0, s1;
	[sflag:s0] =	ssyncset.done @!p0 $0x0  }
0x69: {  	[sflag:s0] =	ssyncadd.s32 @!p0 s1  }
0x6a: {  	[bflag:$0x3] =	sbarrier.arrive $0xFFFF  }
0x6b: {  	_ =	shalt  }

// kernel: kernel.16.cloned.1.call-start
scs
__scs_entry_jumppad:
0x0: {  	(pc) =	sbr.rel $0x88, $3  }
0x1: {  	(tag) =	ssettag $0x0;
	lr =	simm.s32 $0x1  }
0x2: {  	[smem:$0x3F98] =	sst lr;
	_ =	strace $0xD0000000  }
0x3: {  	_ = 	snop  }
0x4: {  	_ = 	snop  }
0x5: {  	_ = 	snop  }
0x6: {  	_ = 	snop  }
0x7: {  	_ = 	snop  }
__scs_overlays_trampoline_lowered:
0x8: {  	[smem:$0x3FA7] =	sst s0  }
0x9: {  	[smem:$0x3FA8] =	sst s1  }
0xa: {  	[smem:$0x3FA9] =	sst s2  }
0xb: {  	[smem:$0x3FAA] =	sst s3  }
0xc: {  	[smem:$0x3FAB] =	sst s4  }
0xd: {  	[smem:$0x3FAC] =	sst s5  }
0xe: {  	[smem:$0x3FAD] =	sst s6  }
0xf: {  	[smem:$0x3FAE] =	sst s7  }
0x10: {  	[smem:$0x3FAF] =	sst s8  }
0x11: {  	[smem:$0x3FB0] =	sst s9;
	s0 =	simm.s32 @!p0 $0x0  }
0x12: {  	s1 =	sld [smem:$0x3F96];
	s0 =	simm.s32 @p0 $0x1  }
0x13: {  	[smem:$0x3FB1] =	sst s0;
	s0 =	simm.s32 @!p1 $0x0  }
0x14: {  	s2 =	sld [smem:$0x3F95];
	s0 =	simm.s32 @p1 $0x1  }
0x15: {  	[smem:$0x3FB2] =	sst s0;
	s0 =	simm.s32 @!p2 $0x0  }
0x16: {  	s3 =	sld [smem:$0x3FDB];
	s0 =	simm.s32 @p2 $0x1  }
0x17: {  	s4 =	simm.s32 $0x1BF5;
	[smem:$0x3FB4] =	sst s0  }
0x18: {  	s0 =	sld [smem:$0x3F97];
	_ =	swait.ge [sflag:s4], $0x0  }
0x19: {  	s7 =	sld [smem:$0x3F98]  }
0x1a: {  	s8 =	sadd.s32 $0xFFFFE003, lr  }
0x1b: {  	s9 =	sadd.s32 $0xFFFFFEF7, lr;
	s5 =	simm.s32 $0xFFFFFFFF;
	p2 =	slt.u32 s8, $0xFFFFF086  }
0x1c: {  	p1 =	slt.u32 s9, $0xF7A;
	s5 =	simm.s32 @!p2 $0x0  }
0x1d: {  	s5 =	simm.s32 @p1 $0x1;
	p0 =	seq.s32 s7, s2  }
0x1e: {  	s7 =	smul.u32 @!p0 $0xF7A, s2;
	p2 =	seq.s32 @!p0 s5, $0x0  }
0x1f: {  	s9 =	smul.u32 $0xF7A, s1;
	s8 =	simm.s32 @!p0 $0x1BF5;
	p2 =	por !p2, p0  }
0x20: {  	[sflag:s8] =	ssyncset.s32 @!p0 $0xFFFFF086;
	s6 =	sadd.s32 @!p0 s3, s7;
	s7 =	simm.s32 @!p0 $0x108  }
0x21: {  	s3 =	sadd.s32 s3, s9;
	s6 =	sadd.s32 @!p0 $0x88, s6;
	s7 =	simm.s32 @p2 $0x1082  }
0x22: {  	[simem:s7], [sflag:s8] =	dma.local @!p0 [hbm:s6], $0xF7A  }
0x23: {  	s9 =	sor.u32 $0xD0000000, s2;
	s6 =	simm.s32 $0x108;
	_ =	swait.ge @!p0 [sflag:s8], $0x0  }
0x24: {  	s3 =	sadd.s32 $0x88, s3;
	s6 =	simm.s32 @!p1 $0x1082;
	[sflag:s4] =	ssyncset.s32 $0xFFFFF086  }
0x25: {  	[simem:s6], [sflag:s4] =	dma.local [hbm:s3], $0xF7A  }
0x26: {  	[smem:$0x3F98] =	sst s1;
	(tag) =	ssettag s2;
	_ =	strace s9  }
0x27: {  	s1 =	sld [smem:$0x3FA8]  }
0x28: {  	s2 =	sld [smem:$0x3FA9]  }
0x29: {  	s4 =	sld [smem:$0x3FAB]  }
0x2a: {  	p0 =	seq.s32 s5, $0x0;
	s5 =	sld [smem:$0x3FAC]  }
0x2b: {  	s6 =	sld [smem:$0x3FAD]  }
0x2c: {  	s7 =	sld [smem:$0x3FAE]  }
0x2d: {  	s3 =	simm.s32 $0x108;
	s8 =	sld [smem:$0x3FAF]  }
0x2e: {  	s3 =	simm.s32 @!p0 $0x1082;
	s9 =	sld [smem:$0x3FB0]  }
0x2f: {  	lr =	sadd.s32 s0, s3;
	s0 =	sld [smem:$0x3FA7]  }
0x30: {  	s3 =	sld [smem:$0x3FAA]  }
0x31: {  	[smem:$0x3FB3] =	sst s10  }
0x32: {  	s10 =	sld [smem:$0x3FB1];
	_ =	sdelay $0x3  }
0x33: {  	p0 =	seq.s32 s10, $0x1;
	s10 =	sld [smem:$0x3FB3];
	_ =	sdelay $0x3  }
0x34: {  	[smem:$0x3FB3] =	sst s10  }
0x35: {  	s10 =	sld [smem:$0x3FB2];
	_ =	sdelay $0x3  }
0x36: {  	p1 =	seq.s32 s10, $0x1;
	s10 =	sld [smem:$0x3FB3];
	_ =	sdelay $0x3  }
0x37: {  	[smem:$0x3FB3] =	sst s10  }
0x38: {  	s10 =	sld [smem:$0x3FB4]  }
0x39: {  	_ = 	snop;
	(pc) =	sbr.ind lr, $3  }
0x3a: {  	_ = 	snop  }
0x3b: {  	_ = 	snop  }
0x3c: {  	p2 =	seq.s32 s10, $0x1;
	s10 =	sld [smem:$0x3FB3]  }
0x3d: {  	_ =	shalt  }
0x3e: {  	_ =	shalt  }
0x3f: {  	_ =	shalt  }
0x40: {  	_ =	shalt  }
0x41: {  	_ =	shalt  }
0x42: {  	_ =	shalt  }
0x43: {  	_ =	shalt  }
0x44: {  	_ =	shalt  }
0x45: {  	_ =	shalt  }
0x46: {  	_ =	shalt  }
0x47: {  	_ =	shalt  }
0x48: {  	_ =	shalt  }
0x49: {  	_ =	shalt  }
0x4a: {  	_ =	shalt  }
0x4b: {  	_ =	shalt  }
0x4c: {  	_ =	shalt  }
0x4d: {  	_ =	shalt  }
0x4e: {  	_ =	shalt  }
0x4f: {  	_ =	shalt  }
0x50: {  	_ =	shalt  }
0x51: {  	_ =	shalt  }
0x52: {  	_ =	shalt  }
0x53: {  	_ =	shalt  }
0x54: {  	_ =	shalt  }
0x55: {  	_ =	shalt  }
0x56: {  	_ =	shalt  }
0x57: {  	_ =	shalt  }
0x58: {  	_ =	shalt  }
0x59: {  	_ =	shalt  }
0x5a: {  	_ =	shalt  }
0x5b: {  	_ =	shalt  }
0x5c: {  	_ =	shalt  }
0x5d: {  	_ =	shalt  }
0x5e: {  	_ =	shalt  }
0x5f: {  	_ =	shalt  }
0x60: {  	_ =	shalt  }
0x61: {  	_ =	shalt  }
0x62: {  	_ =	shalt  }
0x63: {  	_ =	shalt  }
0x64: {  	_ =	shalt  }
0x65: {  	_ =	shalt  }
0x66: {  	_ =	shalt  }
0x67: {  	_ =	shalt  }
0x68: {  	_ =	shalt  }
0x69: {  	_ =	shalt  }
0x6a: {  	_ =	shalt  }
0x6b: {  	_ =	shalt  }
0x6c: {  	_ =	shalt  }
0x6d: {  	_ =	shalt  }
0x6e: {  	_ =	shalt  }
0x6f: {  	_ =	shalt  }
0x70: {  	_ =	shalt  }
0x71: {  	_ =	shalt  }
0x72: {  	_ =	shalt  }
0x73: {  	_ =	shalt  }
0x74: {  	_ =	shalt  }
0x75: {  	_ =	shalt  }
0x76: {  	_ =	shalt  }
0x77: {  	_ =	shalt  }
0x78: {  	_ =	shalt  }
0x79: {  	_ =	shalt  }
0x7a: {  	_ =	shalt  }
0x7b: {  	_ =	shalt  }
0x7c: {  	_ =	shalt  }
0x7d: {  	_ =	shalt  }
0x7e: {  	_ =	shalt  }
0x7f: {  	_ =	shalt  }
0x80: {  	_ =	shalt  }
0x81: {  	_ =	shalt  }
0x82: {  	_ =	shalt  }
0x83: {  	_ =	shalt  }
0x84: {  	_ =	shalt  }
0x85: {  	_ =	shalt  }
0x86: {  	_ =	shalt  }
0x87: {  	_ =	shalt  }
.Lfunc_end0:
.L_simem_size_0:
called_computation.2_lowered:
.L_overlay_start_0:
0x88: {  	s2 =	sld [smem:$0x3FD9]  }
0x89: {  	s3 =	sld [smem:$0x3FFE];
	_ =	sdelay $0x1  }
0x8a: {  	s1 =	srdreg.scid  }
0x8b: {  	s0 =	sand.u32 $0x1, s1  }
0x8c: {  	s17 =	sshll.u32 s0, $0xA;
	s2 =	sadd.s32 s3, s2  }
0x8d: {  	s2 =	sadd.s32 s2, s17  }
0x8e: {  	[smem:$0x3FBF] =	sst s2  }
0x8f: {  	_ = 	snop  }
0x90: {  	s2 =	sld [smem:$0x3FD0];
	(tm) =	ssettm $0x1  }
0x91: {  	s18 =	sld [smem:$0x3FFB];
	_ =	sdelay $0x3  }
0x92: {  	_ =	strace s18  }
0x93: {  	s3 =	sld [smem:$0x3FFC];
	_ =	sdelay $0x3  }
0x94: {  	_ =	strace s3  }
0x95: {  	s3 =	sld [smem:$0x3FFD];
	_ =	sdelay $0x3  }
0x96: {  	_ =	strace s3  }
0x97: {  	_ =	strace $0x8FFFFFFF  }
0x98: {  	s19 =	sld [smem:$0x3FDB];
	_ =	sdelay $0x1  }
0x99: {  	s4 =	simm.s32 $_scs_section_size  }
0x9a: {  	s5 =	simm.s32 $_size__tile_overlayer_lowered;
	s6 =	simm.s32 $_tile_overlayer_lowered  }
0x9b: {  	s22 =	simm.s32 $0x1BFF;
	s21 =	sshll.u32 s6, $0x1;
	s3 =	sadd.s32 s4, s19  }
0x9c: {  	s7 =	simm.s32 $0x0;
	s20 =	sshll.u32 s5, $0x1;
	s5 =	sadd.s32 s21, s3  }
0x9d: {  	[timem:s7], [sflag:s22] =	dma.local [hbm:s5], s20  }
0x9e: {  	_ =	swait.ge [sflag:s22], s20  }
0x9f: {  	s4 =	ssub.s32 $0x0, s20;
	[sflag:s22] =	ssyncset.done $0x0  }
0xa0: {  	[sflag:s22] =	ssyncadd.s32 s4;
	_ =	sdelay $0x1  }
0xa1: {  	s23 =	simm.s32 $0x1B8B  }
0xa2: {  	_ =	swait.ge [sflag:s23], $0x1  }
0xa3: {  	[sflag:s23] =	ssyncset.done $0x0  }
0xa4: {  	s25 =	simm.s32 $0x1B8E;
	s24 =	sld [smem:$0x3FFE];
	[sflag:s23] =	ssyncadd.s32 $0xFFFFFFFF  }
0xa5: {  	s26 =	simm.s32 $execute0_lowered;
	[smem:$0x3FD2] =	sst s25  }
0xa6: {  	s5 =	sshll.u32 s26, $0x1;
	_ =	strace $0x8000004C;
	[dreg:$0x1] =	wrdreg $0xFFFFFFFF  }
0xa7: {  	s28 =	simm.s32 $_size_execute0_lowered;
	s3 =	sadd.s32 s3, s5;
	[dreg:$0x0] =	wrdreg $0x0  }
0xa8: {  	s5 =	sshll.u32 s28, $0x1;
	[dreg:$0x2] =	wrdreg s3  }
0xa9: {  	[dreg:$0x3] =	wrdreg s5  }
0xaa: {  	[dreg:$0x4] =	wrdreg $0xC0  }
0xab: {  	_ =	task [dreg:s7], $0x5FFFF  }
0xac: {  	[dreg:$0x1] =	wrdreg $0xFFFFFFFF  }
0xad: {  	[dreg:$0x0] =	wrdreg $0x60  }
0xae: {  	[dreg:$0x2] =	wrdreg s24  }
0xaf: {  	[dreg:$0x3] =	wrdreg s2  }
0xb0: {  	[dreg:$0x4] =	wrdreg $0x90000  }
0xb1: {  	[dreg:$0x5] =	wrdreg $0x9  }
0xb2: {  	_ =	task.clear_ibuf [dreg:s7], $0x6FFFF;
	_ =	strace $0x9000004C  }
0xb3: {  	s29 =	simm.s32 $0x9;
	_ =	strace $0x8000004E  }
0xb4: {  	_ =	swait.ge [sflag:s29], $0x1  }
0xb5: {  	[sflag:s29] =	ssyncadd.s32 $0xFFFFFFFF  }
0xb6: {  	_ =	strace $0x9000004E  }
0xb7: {  	_ =	sfence  }
0xb8: {  	s30 =	sld [smem:$0x0];
	_ =	sdelay $0x2  }
0xb9: {  	s31 =	sshll.u32 s1, $0xD;
	s1 =	sshrl.u32 s1, $0x2  }
0xba: {  	s3 =	sand.u32 $0x4000, s31;
	s1 =	sadd.s32 s1, s30  }
0xbb: {  	s0 =	sor.u32 s3, s0;
	s1 =	sshll.u32 s1, $0x11  }
0xbc: {  	s0 =	sor.u32 s1, s0  }
0xbd: {  	s0 =	sadd.s32 $0x8F2B, s0  }
0xbe: {  	[sflag:s0] =	ssyncadd.remote.s32 $0x1  }
0xbf: {  	_ =	sfence.sel $0xFFFF  }
0xc0: {  	[dreg:$0x0] =	wrdreg $0xFFFFFFFF;
	(pc) =	sbr.abs _section_cstart, $3  }
0xc1: {  	[dreg:$0x1] =	wrdreg $0xFFFFFFFF  }
0xc2: {  	_ =	task.clear_ibuf [dreg:s7], $0x2FFFF;
	_ =	strace $0x9FFFFFFF  }
0xc3: {  	(tm) =	ssettm $0x7FFFFFFF  }
tec
execute0_lowered:
.L_overlay_start_1:
0x0: {  	(tag) =	ssettag $0x1  }
0x1: {  	s6 =	rddreg [dreg:$0x0]  }
0x2: {  	s2 =	rddreg [dreg:$0x1]  }
0x3: {  	s0 =	srdreg.scid;
	s3 =	rddreg [dreg:$0x2]  }
0x4: {  	s4 =	simm.s32 $0x0;
	s14 =	simm.s32 $0x5000;
	s5 =	sand.u32 $0x1, s0  }
0x5: {  	s15 =	simm.s32 $0x1;
	s0 =	stileid.u32;
	s8 =	smul.u32 $0x140000, s5  }
0x6: {  	s16 =	simm.s32 $0x2800;
	s17 =	simm.s32 $0x80;
	s9 =	smul.u32 $0x14000, s0  }
0x7: {  	[smem:$0x7FF] =	sst s4;
	s1 =	sshll.u32 s5, $0x4;
	s10 =	smul.u32 $0x50000, s0  }
0x8: {  	s5 =	ssub.s32 $0x2, s5;
	s18 =	sshll.u32 s0, $0x6;
	s1 =	sor.u32 s0, s1  }
0x9: {  	s31 =	sshrl.u32 s5, $0x1;
	s18 =	sor.u32 $0x1C01, s18;
	s7 =	smul.u32 $0x500, s1  }
0xa: {  	s1 =	rddreg [dreg:$0x3];
	_ =	strace $0x8000004D;
	s8 =	sadd.s32 s9, s8  }
0xb: {  	s10 =	sshrl.u32 s10, $0x2;
	s9 =	ssub.s32 s5, s31;
	s8 =	sshrl.u32 s8, $0x3  }
0xc: {  	s5 =	sadd.s32 s10, s3;
	s9 =	smax.u32 s9, $0x1;
	s7 =	sadd.s32 s7, s6  }
0xd: {  	s8 =	sadd.s32 s8, s6;
	s10 =	sadd.s32 $0x4000, s5;
	s11 =	sadd.s32 $0x8000, s5  }
0xe: {  	s12 =	sadd.s32 $0xC000, s5;
	s13 =	sadd.s32 $0x10000, s5;
	s19 =	sshrl.u32 s5, $0x3  }
0xf: {  	v0 =	vimm.f32 $0.0e+00;
	s6 =	sadd.s32 $0x2C00, s7;
	s7 =	sadd.s32 $0x16C00, s7;
	s8 =	sadd.s32 $0x70C00, s8  }
.LBB2_1:
0x10: {  	s20 =	simm.s32 $0x0;
	s21 =	simm.s32 $0x200  }
.LBB2_2:
0x11: {  	p0 =	sne.s32 s21, $0xFE00;
	[tilespmem:s20+$0x5070] =	vst v0  }
0x12: {  	[tilespmem:s20+$0x5000] =	vst v0  }
0x13: {  	[tilespmem:s20+$0x5010] =	vst v0  }
.Ltmp0:
0x14: {  	[tilespmem:s20+$0x5020] =	vst v0;
	(pc) =	sbr.rel @p0 .LBB2_2-.Ltmp0, $4  }
0x15: {  	[tilespmem:s20+$0x5030] =	vst v0  }
0x16: {  	[tilespmem:s20+$0x5040] =	vst v0  }
0x17: {  	[tilespmem:s20+$0x5050] =	vst v0  }
0x18: {  	[tilespmem:s20+$0x5060] =	vst v0;
	s20 =	sshra.s32 s21, $0x2;
	s21 =	sadd.s32 $0x200, s21  }
0x19: {  	[tilespmem:s20+$0x5070] =	vst v0  }
0x1a: {  	[tilespmem:s20+$0x5000] =	vst v0  }
0x1b: {  	[tilespmem:s20+$0x5010] =	vst v0  }
0x1c: {  	[tilespmem:s20+$0x5020] =	vst v0  }
0x1d: {  	[tilespmem:s20+$0x5030] =	vst v0  }
0x1e: {  	[tilespmem:s20+$0x5040] =	vst v0  }
0x1f: {  	[tilespmem:s20+$0x5050] =	vst v0  }
0x20: {  	[tilespmem:s20+$0x5060] =	vst v0  }
0x21: {  	[spmem:s5] =	stream.linear.scatter [tilespmem:s14], [sflag:$0x1], $0x4000, $0x38;
	[tilespmem:$0x1D000] =	vst v63  }
0x22: {  	_ =	swait.ge [sflag:s15], $0x4000  }
0x23: {  	[sflag:s15] =	ssyncset.done $0x0  }
0x24: {  	[sflag:s15] =	ssyncadd.s32 $0xFFFFC000  }
0x25: {  	[spmem:s10] =	stream.linear.scatter [tilespmem:s14], [sflag:$0x1], $0x4000, $0x38;
	[tilespmem:$0x1D000] =	vst v63  }
0x26: {  	_ =	swait.ge [sflag:s15], $0x4000  }
0x27: {  	[sflag:s15] =	ssyncset.done $0x0  }
0x28: {  	[sflag:s15] =	ssyncadd.s32 $0xFFFFC000  }
0x29: {  	[spmem:s11] =	stream.linear.scatter [tilespmem:s14], [sflag:$0x1], $0x4000, $0x38;
	[tilespmem:$0x1D000] =	vst v63  }
0x2a: {  	_ =	swait.ge [sflag:s15], $0x4000  }
0x2b: {  	[sflag:s15] =	ssyncset.done $0x0  }
0x2c: {  	[sflag:s15] =	ssyncadd.s32 $0xFFFFC000  }
0x2d: {  	[spmem:s12] =	stream.linear.scatter [tilespmem:s14], [sflag:$0x1], $0x4000, $0x38;
	[tilespmem:$0x1D000] =	vst v63  }
0x2e: {  	_ =	swait.ge [sflag:s15], $0x4000  }
0x2f: {  	[sflag:s15] =	ssyncset.done $0x0  }
0x30: {  	[sflag:s15] =	ssyncadd.s32 $0xFFFFC000  }
0x31: {  	[spmem:s13] =	stream.linear.scatter [tilespmem:s14], [sflag:$0x1], $0x4000, $0x38;
	[tilespmem:$0x1D000] =	vst v63  }
0x32: {  	_ =	swait.ge [sflag:s15], $0x4000  }
0x33: {  	[sflag:s15] =	ssyncset.done $0x0  }
0x34: {  	s29 =	simm.s32 $0x0;
	[sflag:s15] =	ssyncadd.s32 $0xFFFFC000  }
0x35: {  	[tilespmem:s29], [sflag:$0x1] =	stream.linear.gather [hbm4b:s6+s29], $0x2800, $0x38;
	[tilespmem:$0x1D000] =	vst v63  }
0x36: {  	_ =	swait.ge [sflag:s15], $0x2800  }
0x37: {  	[sflag:s15] =	ssyncset.done $0x0  }
0x38: {  	[sflag:s15] =	ssyncadd.s32 $0xFFFFD800  }
0x39: {  	[tilespmem:s16], [sflag:$0x1] =	stream.linear.gather [hbm4b:s7+s29], $0x2800, $0x38;
	[tilespmem:$0x1D000] =	vst v63  }
0x3a: {  	_ =	swait.ge [sflag:s15], $0x2800  }
0x3b: {  	[sflag:s15] =	ssyncset.done $0x0  }
0x3c: {  	[sflag:s15] =	ssyncadd.s32 $0xFFFFD800  }
0x3d: {  	s30 =	simm.s32 $0x0;
	[bflag:$0x0] =	sbarrier.arrive $0xFFFF  }
0x3e: {  	[tilespmem:s14], [sflag:$0x1] =	stream.indirect.gather [hbm4b:s2+s17], $0x80, s30, s17, $0xb8;
	[tilespmem:$0x1D000] =	vst v63  }
0x3f: {  	_ =	swait.ge [sflag:s15], $0x4000  }
0x40: {  	[sflag:s15] =	ssyncset.done $0x0  }
0x41: {  	s31 =	simm.s32 $0x2800;
	[sflag:s15] =	ssyncadd.s32 $0xFFFFC000  }
0x42: {  	[spmem:s3] =	stream.indirect.scatter.add.f32 [tilespmem:s14], [sflag:$0x1], $0x80, s31, s17, $0xb8;
	[tilespmem:$0x1D000] =	vst v63  }
0x43: {  	_ =	swait.ge [sflag:s15], $0x4000  }
0x44: {  	s20 =	simm.s32 $0x200;
	s21 =	simm.s32 $0x400;
	[sflag:s15] =	ssyncset.done $0x0  }
.LBB2_4:
0x45: {  	s22 =	sshra.s32 s20, $0x2  }
0x46: {  	[sflag:s15] =	ssyncadd.s32 $0xFFFFC000;
	s20 =	smov.u32 s21;
	s23 =	sadd.s32 $0x200, s21  }
0x47: {  	[tilespmem:s14], [sflag:$0x1] =	stream.indirect.gather [hbm4b:s2+s17], $0x80, s22, s17, $0xb8;
	[tilespmem:$0x1D000] =	vst v63  }
0x48: {  	p0 =	sne.s32 s21, $0x9E00;
	_ =	swait.ge [sflag:s15], $0x4000  }
.Ltmp1:
0x49: {  	[sflag:s15] =	ssyncset.done $0x0;
	(pc) =	sbr.rel @p0 .LBB2_4-.Ltmp1, $4  }
0x4a: {  	s21 =	sadd.s32 $0x2800, s22;
	[sflag:s15] =	ssyncadd.s32 $0xFFFFC000  }
0x4b: {  	[spmem:s3] =	stream.indirect.scatter.add.f32 [tilespmem:s14], [sflag:$0x1], $0x80, s21, s17, $0xb8;
	[tilespmem:$0x1D000] =	vst v63  }
0x4c: {  	_ =	swait.ge [sflag:s15], $0x4000  }
0x4d: {  	s21 =	smov.u32 s23;
	[sflag:s15] =	ssyncset.done $0x0  }
0x4e: {  	s20 =	sshra.s32 s20, $0x2;
	[sflag:s15] =	ssyncadd.s32 $0xFFFFC000  }
0x4f: {  	[tilespmem:s14], [sflag:$0x1] =	stream.indirect.gather [hbm4b:s2+s17], $0x80, s20, s17, $0xb8;
	[tilespmem:$0x1D000] =	vst v63  }
0x50: {  	_ =	swait.ge [sflag:s15], $0x4000  }
0x51: {  	[sflag:s15] =	ssyncset.done $0x0  }
0x52: {  	s20 =	sadd.s32 $0x2800, s20;
	[sflag:s15] =	ssyncadd.s32 $0xFFFFC000  }
0x53: {  	[spmem:s3] =	stream.indirect.scatter.add.f32 [tilespmem:s14], [sflag:$0x1], $0x80, s20, s17, $0xb8;
	[tilespmem:$0x1D000] =	vst v63  }
0x54: {  	_ =	swait.ge [sflag:s15], $0x4000  }
0x55: {  	s4 =	sadd.s32 $0x1, s4;
	[sflag:s15] =	ssyncset.done $0x0  }
0x56: {  	p0 =	sne.s32 s4, s9;
	[sflag:s15] =	ssyncadd.s32 $0xFFFFC000  }
.Ltmp2:
0x57: {  	[bflag:$0x0] =	sbarrier.arrive $0xFFFF;
	(pc) =	sbr.rel @p0 .LBB2_1-.Ltmp2, $4  }
0x58: {  	[hbm:s8], [sflag:s18] =	dma.local [spmem:s19], $0x2800  }
0x59: {  	_ =	swait.ge [sflag:s15], $0x2800  }
0x5a: {  	[sflag:s15] =	ssyncset.done $0x0  }
0x5b: {  	[sflag:s15] =	ssyncadd.s32 $0xFFFFD800  }
0x5c: {  	_ =	sfence.sel $0x180000  }
0x5d: {  	[bflag:$0x0] =	sbarrier.arrive $0xFFFF  }
0x5e: {  	p0 =	sne.s32 s0, $0x0;
	_ =	strace $0x9000004D  }
0x5f: {  	s0 =	sadd.s32 @!p0 $0x100000, s1;
	[bflag:$0x2] =	sbarrier.arrive $0xFFFF  }
0x60: {  	[sflag:s0] =	ssyncadd.tile.s32 @!p0 $0x1;
	_ =	shalt  }
.Lfunc_end2:
_tile_overlayer_lowered:
.L_overlay_start_2:
0x61: {  	(tag) =	ssettag $0x2  }
0x62: {  	s0 =	rddreg [dreg:$0x0];
	s2 =	stileid.u32  }
0x63: {  	s1 =	rddreg [dreg:$0x1];
	p0 =	sne.s32 s2, $0x0  }
0x64: {  	s3 =	rddreg [dreg:$0x2];
	[bflag:$0x3] =	sbarrier.arrive $0xFFFF;
	s2 =	simm.s32 @!p0 $0x1C01  }
0x65: {  	[timem:s3], [sflag:s2] =	dma.local @!p0 [hbm:s0], s1  }
0x66: {  	s0 =	simm.s32 @!p0 $0x1  }
0x67: {  	_ =	swait.ge @!p0 [sflag:s0], s1  }
0x68: {  	s1 =	ssub.s32 @!p0 $0x0, s1;
	[sflag:s0] =	ssyncset.done @!p0 $0x0  }
0x69: {  	[sflag:s0] =	ssyncadd.s32 @!p0 s1  }
0x6a: {  	[bflag:$0x3] =	sbarrier.arrive $0xFFFF  }
0x6b: {  	_ =	shalt  }

// kernel: kernel.19.cloned.1.call-start
scs
__scs_entry_jumppad:
0x0: {  	(pc) =	sbr.rel $0x88, $3  }
0x1: {  	(tag) =	ssettag $0x0;
	lr =	simm.s32 $0x1  }
0x2: {  	[smem:$0x3F98] =	sst lr;
	_ =	strace $0xD0000000  }
0x3: {  	_ = 	snop  }
0x4: {  	_ = 	snop  }
0x5: {  	_ = 	snop  }
0x6: {  	_ = 	snop  }
0x7: {  	_ = 	snop  }
__scs_overlays_trampoline_lowered:
0x8: {  	[smem:$0x3FA7] =	sst s0  }
0x9: {  	[smem:$0x3FA8] =	sst s1  }
0xa: {  	[smem:$0x3FA9] =	sst s2  }
0xb: {  	[smem:$0x3FAA] =	sst s3  }
0xc: {  	[smem:$0x3FAB] =	sst s4  }
0xd: {  	[smem:$0x3FAC] =	sst s5  }
0xe: {  	[smem:$0x3FAD] =	sst s6  }
0xf: {  	[smem:$0x3FAE] =	sst s7  }
0x10: {  	[smem:$0x3FAF] =	sst s8  }
0x11: {  	[smem:$0x3FB0] =	sst s9;
	s0 =	simm.s32 @!p0 $0x0  }
0x12: {  	s1 =	sld [smem:$0x3F96];
	s0 =	simm.s32 @p0 $0x1  }
0x13: {  	[smem:$0x3FB1] =	sst s0;
	s0 =	simm.s32 @!p1 $0x0  }
0x14: {  	s2 =	sld [smem:$0x3F95];
	s0 =	simm.s32 @p1 $0x1  }
0x15: {  	[smem:$0x3FB2] =	sst s0;
	s0 =	simm.s32 @!p2 $0x0  }
0x16: {  	s3 =	sld [smem:$0x3FDB];
	s0 =	simm.s32 @p2 $0x1  }
0x17: {  	s4 =	simm.s32 $0x1BF5;
	[smem:$0x3FB4] =	sst s0  }
0x18: {  	s0 =	sld [smem:$0x3F97];
	_ =	swait.ge [sflag:s4], $0x0  }
0x19: {  	s7 =	sld [smem:$0x3F98]  }
0x1a: {  	s8 =	sadd.s32 $0xFFFFE003, lr  }
0x1b: {  	s9 =	sadd.s32 $0xFFFFFEF7, lr;
	s5 =	simm.s32 $0xFFFFFFFF;
	p2 =	slt.u32 s8, $0xFFFFF086  }
0x1c: {  	p1 =	slt.u32 s9, $0xF7A;
	s5 =	simm.s32 @!p2 $0x0  }
0x1d: {  	s5 =	simm.s32 @p1 $0x1;
	p0 =	seq.s32 s7, s2  }
0x1e: {  	s7 =	smul.u32 @!p0 $0xF7A, s2;
	p2 =	seq.s32 @!p0 s5, $0x0  }
0x1f: {  	s9 =	smul.u32 $0xF7A, s1;
	s8 =	simm.s32 @!p0 $0x1BF5;
	p2 =	por !p2, p0  }
0x20: {  	[sflag:s8] =	ssyncset.s32 @!p0 $0xFFFFF086;
	s6 =	sadd.s32 @!p0 s3, s7;
	s7 =	simm.s32 @!p0 $0x108  }
0x21: {  	s3 =	sadd.s32 s3, s9;
	s6 =	sadd.s32 @!p0 $0x88, s6;
	s7 =	simm.s32 @p2 $0x1082  }
0x22: {  	[simem:s7], [sflag:s8] =	dma.local @!p0 [hbm:s6], $0xF7A  }
0x23: {  	s9 =	sor.u32 $0xD0000000, s2;
	s6 =	simm.s32 $0x108;
	_ =	swait.ge @!p0 [sflag:s8], $0x0  }
0x24: {  	s3 =	sadd.s32 $0x88, s3;
	s6 =	simm.s32 @!p1 $0x1082;
	[sflag:s4] =	ssyncset.s32 $0xFFFFF086  }
0x25: {  	[simem:s6], [sflag:s4] =	dma.local [hbm:s3], $0xF7A  }
0x26: {  	[smem:$0x3F98] =	sst s1;
	(tag) =	ssettag s2;
	_ =	strace s9  }
0x27: {  	s1 =	sld [smem:$0x3FA8]  }
0x28: {  	s2 =	sld [smem:$0x3FA9]  }
0x29: {  	s4 =	sld [smem:$0x3FAB]  }
0x2a: {  	p0 =	seq.s32 s5, $0x0;
	s5 =	sld [smem:$0x3FAC]  }
0x2b: {  	s6 =	sld [smem:$0x3FAD]  }
0x2c: {  	s7 =	sld [smem:$0x3FAE]  }
0x2d: {  	s3 =	simm.s32 $0x108;
	s8 =	sld [smem:$0x3FAF]  }
0x2e: {  	s3 =	simm.s32 @!p0 $0x1082;
	s9 =	sld [smem:$0x3FB0]  }
0x2f: {  	lr =	sadd.s32 s0, s3;
	s0 =	sld [smem:$0x3FA7]  }
0x30: {  	s3 =	sld [smem:$0x3FAA]  }
0x31: {  	[smem:$0x3FB3] =	sst s10  }
0x32: {  	s10 =	sld [smem:$0x3FB1];
	_ =	sdelay $0x3  }
0x33: {  	p0 =	seq.s32 s10, $0x1;
	s10 =	sld [smem:$0x3FB3];
	_ =	sdelay $0x3  }
0x34: {  	[smem:$0x3FB3] =	sst s10  }
0x35: {  	s10 =	sld [smem:$0x3FB2];
	_ =	sdelay $0x3  }
0x36: {  	p1 =	seq.s32 s10, $0x1;
	s10 =	sld [smem:$0x3FB3];
	_ =	sdelay $0x3  }
0x37: {  	[smem:$0x3FB3] =	sst s10  }
0x38: {  	s10 =	sld [smem:$0x3FB4]  }
0x39: {  	_ = 	snop;
	(pc) =	sbr.ind lr, $3  }
0x3a: {  	_ = 	snop  }
0x3b: {  	_ = 	snop  }
0x3c: {  	p2 =	seq.s32 s10, $0x1;
	s10 =	sld [smem:$0x3FB3]  }
0x3d: {  	_ =	shalt  }
0x3e: {  	_ =	shalt  }
0x3f: {  	_ =	shalt  }
0x40: {  	_ =	shalt  }
0x41: {  	_ =	shalt  }
0x42: {  	_ =	shalt  }
0x43: {  	_ =	shalt  }
0x44: {  	_ =	shalt  }
0x45: {  	_ =	shalt  }
0x46: {  	_ =	shalt  }
0x47: {  	_ =	shalt  }
0x48: {  	_ =	shalt  }
0x49: {  	_ =	shalt  }
0x4a: {  	_ =	shalt  }
0x4b: {  	_ =	shalt  }
0x4c: {  	_ =	shalt  }
0x4d: {  	_ =	shalt  }
0x4e: {  	_ =	shalt  }
0x4f: {  	_ =	shalt  }
0x50: {  	_ =	shalt  }
0x51: {  	_ =	shalt  }
0x52: {  	_ =	shalt  }
0x53: {  	_ =	shalt  }
0x54: {  	_ =	shalt  }
0x55: {  	_ =	shalt  }
0x56: {  	_ =	shalt  }
0x57: {  	_ =	shalt  }
0x58: {  	_ =	shalt  }
0x59: {  	_ =	shalt  }
0x5a: {  	_ =	shalt  }
0x5b: {  	_ =	shalt  }
0x5c: {  	_ =	shalt  }
0x5d: {  	_ =	shalt  }
0x5e: {  	_ =	shalt  }
0x5f: {  	_ =	shalt  }
0x60: {  	_ =	shalt  }
0x61: {  	_ =	shalt  }
0x62: {  	_ =	shalt  }
0x63: {  	_ =	shalt  }
0x64: {  	_ =	shalt  }
0x65: {  	_ =	shalt  }
0x66: {  	_ =	shalt  }
0x67: {  	_ =	shalt  }
0x68: {  	_ =	shalt  }
0x69: {  	_ =	shalt  }
0x6a: {  	_ =	shalt  }
0x6b: {  	_ =	shalt  }
0x6c: {  	_ =	shalt  }
0x6d: {  	_ =	shalt  }
0x6e: {  	_ =	shalt  }
0x6f: {  	_ =	shalt  }
0x70: {  	_ =	shalt  }
0x71: {  	_ =	shalt  }
0x72: {  	_ =	shalt  }
0x73: {  	_ =	shalt  }
0x74: {  	_ =	shalt  }
0x75: {  	_ =	shalt  }
0x76: {  	_ =	shalt  }
0x77: {  	_ =	shalt  }
0x78: {  	_ =	shalt  }
0x79: {  	_ =	shalt  }
0x7a: {  	_ =	shalt  }
0x7b: {  	_ =	shalt  }
0x7c: {  	_ =	shalt  }
0x7d: {  	_ =	shalt  }
0x7e: {  	_ =	shalt  }
0x7f: {  	_ =	shalt  }
0x80: {  	_ =	shalt  }
0x81: {  	_ =	shalt  }
0x82: {  	_ =	shalt  }
0x83: {  	_ =	shalt  }
0x84: {  	_ =	shalt  }
0x85: {  	_ =	shalt  }
0x86: {  	_ =	shalt  }
0x87: {  	_ =	shalt  }
.Lfunc_end0:
.L_simem_size_0:
called_computation.3_lowered:
.L_overlay_start_0:
0x88: {  	s2 =	sld [smem:$0x3FD9]  }
0x89: {  	s3 =	sld [smem:$0x3FFE];
	_ =	sdelay $0x1  }
0x8a: {  	s1 =	srdreg.scid  }
0x8b: {  	s0 =	sand.u32 $0x1, s1  }
0x8c: {  	s17 =	sshll.u32 s0, $0xA;
	s2 =	sadd.s32 s3, s2  }
0x8d: {  	s2 =	sadd.s32 s2, s17  }
0x8e: {  	[smem:$0x3FBF] =	sst s2  }
0x8f: {  	_ = 	snop  }
0x90: {  	s2 =	sld [smem:$0x3FD0];
	(tm) =	ssettm $0x1  }
0x91: {  	s18 =	sld [smem:$0x3FFB];
	_ =	sdelay $0x3  }
0x92: {  	_ =	strace s18  }
0x93: {  	s3 =	sld [smem:$0x3FFC];
	_ =	sdelay $0x3  }
0x94: {  	_ =	strace s3  }
0x95: {  	s3 =	sld [smem:$0x3FFD];
	_ =	sdelay $0x3  }
0x96: {  	_ =	strace s3  }
0x97: {  	_ =	strace $0x8FFFFFFF  }
0x98: {  	s19 =	sld [smem:$0x3FDB];
	_ =	sdelay $0x1  }
0x99: {  	s4 =	simm.s32 $_scs_section_size  }
0x9a: {  	s5 =	simm.s32 $_size__tile_overlayer_lowered;
	s6 =	simm.s32 $_tile_overlayer_lowered  }
0x9b: {  	s22 =	simm.s32 $0x1BFF;
	s21 =	sshll.u32 s6, $0x1;
	s3 =	sadd.s32 s4, s19  }
0x9c: {  	s7 =	simm.s32 $0x0;
	s20 =	sshll.u32 s5, $0x1;
	s5 =	sadd.s32 s21, s3  }
0x9d: {  	[timem:s7], [sflag:s22] =	dma.local [hbm:s5], s20  }
0x9e: {  	_ =	swait.ge [sflag:s22], s20  }
0x9f: {  	s4 =	ssub.s32 $0x0, s20;
	[sflag:s22] =	ssyncset.done $0x0  }
0xa0: {  	[sflag:s22] =	ssyncadd.s32 s4;
	_ =	sdelay $0x1  }
0xa1: {  	s23 =	simm.s32 $0x1B8B  }
0xa2: {  	_ =	swait.ge [sflag:s23], $0x1  }
0xa3: {  	[sflag:s23] =	ssyncset.done $0x0  }
0xa4: {  	s25 =	simm.s32 $0x1B8E;
	s24 =	sld [smem:$0x3FFE];
	[sflag:s23] =	ssyncadd.s32 $0xFFFFFFFF  }
0xa5: {  	s26 =	simm.s32 $execute0_lowered;
	[smem:$0x3FD2] =	sst s25  }
0xa6: {  	s5 =	sshll.u32 s26, $0x1;
	_ =	strace $0x8000004F;
	[dreg:$0x1] =	wrdreg $0xFFFFFFFF  }
0xa7: {  	s28 =	simm.s32 $_size_execute0_lowered;
	s3 =	sadd.s32 s3, s5;
	[dreg:$0x0] =	wrdreg $0x0  }
0xa8: {  	s5 =	sshll.u32 s28, $0x1;
	[dreg:$0x2] =	wrdreg s3  }
0xa9: {  	[dreg:$0x3] =	wrdreg s5  }
0xaa: {  	[dreg:$0x4] =	wrdreg $0xC0  }
0xab: {  	_ =	task [dreg:s7], $0x5FFFF  }
0xac: {  	[dreg:$0x1] =	wrdreg $0xFFFFFFFF  }
0xad: {  	[dreg:$0x0] =	wrdreg $0x60  }
0xae: {  	[dreg:$0x2] =	wrdreg s24  }
0xaf: {  	[dreg:$0x3] =	wrdreg s2  }
0xb0: {  	[dreg:$0x4] =	wrdreg $0x90000  }
0xb1: {  	[dreg:$0x5] =	wrdreg $0x9  }
0xb2: {  	_ =	task.clear_ibuf [dreg:s7], $0x6FFFF;
	_ =	strace $0x9000004F  }
0xb3: {  	s29 =	simm.s32 $0x9;
	_ =	strace $0x80000051  }
0xb4: {  	_ =	swait.ge [sflag:s29], $0x1  }
0xb5: {  	[sflag:s29] =	ssyncadd.s32 $0xFFFFFFFF  }
0xb6: {  	_ =	strace $0x90000051  }
0xb7: {  	_ =	sfence  }
0xb8: {  	s30 =	sld [smem:$0x0];
	_ =	sdelay $0x2  }
0xb9: {  	s31 =	sshll.u32 s1, $0xD;
	s1 =	sshrl.u32 s1, $0x2  }
0xba: {  	s3 =	sand.u32 $0x4000, s31;
	s1 =	sadd.s32 s1, s30  }
0xbb: {  	s0 =	sor.u32 s3, s0;
	s1 =	sshll.u32 s1, $0x11  }
0xbc: {  	s0 =	sor.u32 s1, s0  }
0xbd: {  	s0 =	sadd.s32 $0x8F2B, s0  }
0xbe: {  	[sflag:s0] =	ssyncadd.remote.s32 $0x1  }
0xbf: {  	_ =	sfence.sel $0xFFFF  }
0xc0: {  	[dreg:$0x0] =	wrdreg $0xFFFFFFFF;
	(pc) =	sbr.abs _section_cstart, $3  }
0xc1: {  	[dreg:$0x1] =	wrdreg $0xFFFFFFFF  }
0xc2: {  	_ =	task.clear_ibuf [dreg:s7], $0x2FFFF;
	_ =	strace $0x9FFFFFFF  }
0xc3: {  	(tm) =	ssettm $0x7FFFFFFF  }
tec
execute0_lowered:
.L_overlay_start_1:
0x0: {  	(tag) =	ssettag $0x1  }
0x1: {  	s6 =	rddreg [dreg:$0x0]  }
0x2: {  	s2 =	rddreg [dreg:$0x1]  }
0x3: {  	s0 =	srdreg.scid;
	s3 =	rddreg [dreg:$0x2]  }
0x4: {  	s4 =	simm.s32 $0x0;
	s14 =	simm.s32 $0x5000;
	s5 =	sand.u32 $0x1, s0  }
0x5: {  	s15 =	simm.s32 $0x1;
	s0 =	stileid.u32;
	s8 =	smul.u32 $0x140000, s5  }
0x6: {  	s16 =	simm.s32 $0x2800;
	s17 =	simm.s32 $0x80;
	s9 =	smul.u32 $0x14000, s0  }
0x7: {  	[smem:$0x7FF] =	sst s4;
	s1 =	sshll.u32 s5, $0x4;
	s10 =	smul.u32 $0x50000, s0  }
0x8: {  	s5 =	ssub.s32 $0x2, s5;
	s18 =	sshll.u32 s0, $0x6;
	s1 =	sor.u32 s0, s1  }
0x9: {  	s31 =	sshrl.u32 s5, $0x1;
	s18 =	sor.u32 $0x1C01, s18;
	s7 =	smul.u32 $0x500, s1  }
0xa: {  	s1 =	rddreg [dreg:$0x3];
	_ =	strace $0x80000050;
	s8 =	sadd.s32 s9, s8  }
0xb: {  	s10 =	sshrl.u32 s10, $0x2;
	s9 =	ssub.s32 s5, s31;
	s8 =	sshrl.u32 s8, $0x3  }
0xc: {  	s5 =	sadd.s32 s10, s3;
	s9 =	smax.u32 s9, $0x1;
	s7 =	sadd.s32 s7, s6  }
0xd: {  	s8 =	sadd.s32 s8, s6;
	s10 =	sadd.s32 $0x4000, s5;
	s11 =	sadd.s32 $0x8000, s5  }
0xe: {  	s12 =	sadd.s32 $0xC000, s5;
	s13 =	sadd.s32 $0x10000, s5;
	s19 =	sshrl.u32 s5, $0x3  }
0xf: {  	v0 =	vimm.f32 $0.0e+00;
	s6 =	sadd.s32 $0x2C00, s7;
	s7 =	sadd.s32 $0x16C00, s7;
	s8 =	sadd.s32 $0x70C00, s8  }
.LBB2_1:
0x10: {  	s20 =	simm.s32 $0x0;
	s21 =	simm.s32 $0x200  }
.LBB2_2:
0x11: {  	p0 =	sne.s32 s21, $0xFE00;
	[tilespmem:s20+$0x5070] =	vst v0  }
0x12: {  	[tilespmem:s20+$0x5000] =	vst v0  }
0x13: {  	[tilespmem:s20+$0x5010] =	vst v0  }
.Ltmp0:
0x14: {  	[tilespmem:s20+$0x5020] =	vst v0;
	(pc) =	sbr.rel @p0 .LBB2_2-.Ltmp0, $4  }
0x15: {  	[tilespmem:s20+$0x5030] =	vst v0  }
0x16: {  	[tilespmem:s20+$0x5040] =	vst v0  }
0x17: {  	[tilespmem:s20+$0x5050] =	vst v0  }
0x18: {  	[tilespmem:s20+$0x5060] =	vst v0;
	s20 =	sshra.s32 s21, $0x2;
	s21 =	sadd.s32 $0x200, s21  }
0x19: {  	[tilespmem:s20+$0x5070] =	vst v0  }
0x1a: {  	[tilespmem:s20+$0x5000] =	vst v0  }
0x1b: {  	[tilespmem:s20+$0x5010] =	vst v0  }
0x1c: {  	[tilespmem:s20+$0x5020] =	vst v0  }
0x1d: {  	[tilespmem:s20+$0x5030] =	vst v0  }
0x1e: {  	[tilespmem:s20+$0x5040] =	vst v0  }
0x1f: {  	[tilespmem:s20+$0x5050] =	vst v0  }
0x20: {  	[tilespmem:s20+$0x5060] =	vst v0  }
0x21: {  	[spmem:s5] =	stream.linear.scatter [tilespmem:s14], [sflag:$0x1], $0x4000, $0x38;
	[tilespmem:$0x1D000] =	vst v63  }
0x22: {  	_ =	swait.ge [sflag:s15], $0x4000  }
0x23: {  	[sflag:s15] =	ssyncset.done $0x0  }
0x24: {  	[sflag:s15] =	ssyncadd.s32 $0xFFFFC000  }
0x25: {  	[spmem:s10] =	stream.linear.scatter [tilespmem:s14], [sflag:$0x1], $0x4000, $0x38;
	[tilespmem:$0x1D000] =	vst v63  }
0x26: {  	_ =	swait.ge [sflag:s15], $0x4000  }
0x27: {  	[sflag:s15] =	ssyncset.done $0x0  }
0x28: {  	[sflag:s15] =	ssyncadd.s32 $0xFFFFC000  }
0x29: {  	[spmem:s11] =	stream.linear.scatter [tilespmem:s14], [sflag:$0x1], $0x4000, $0x38;
	[tilespmem:$0x1D000] =	vst v63  }
0x2a: {  	_ =	swait.ge [sflag:s15], $0x4000  }
0x2b: {  	[sflag:s15] =	ssyncset.done $0x0  }
0x2c: {  	[sflag:s15] =	ssyncadd.s32 $0xFFFFC000  }
0x2d: {  	[spmem:s12] =	stream.linear.scatter [tilespmem:s14], [sflag:$0x1], $0x4000, $0x38;
	[tilespmem:$0x1D000] =	vst v63  }
0x2e: {  	_ =	swait.ge [sflag:s15], $0x4000  }
0x2f: {  	[sflag:s15] =	ssyncset.done $0x0  }
0x30: {  	[sflag:s15] =	ssyncadd.s32 $0xFFFFC000  }
0x31: {  	[spmem:s13] =	stream.linear.scatter [tilespmem:s14], [sflag:$0x1], $0x4000, $0x38;
	[tilespmem:$0x1D000] =	vst v63  }
0x32: {  	_ =	swait.ge [sflag:s15], $0x4000  }
0x33: {  	[sflag:s15] =	ssyncset.done $0x0  }
0x34: {  	s29 =	simm.s32 $0x0;
	[sflag:s15] =	ssyncadd.s32 $0xFFFFC000  }
0x35: {  	[tilespmem:s29], [sflag:$0x1] =	stream.linear.gather [hbm4b:s6+s29], $0x2800, $0x38;
	[tilespmem:$0x1D000] =	vst v63  }
0x36: {  	_ =	swait.ge [sflag:s15], $0x2800  }
0x37: {  	[sflag:s15] =	ssyncset.done $0x0  }
0x38: {  	[sflag:s15] =	ssyncadd.s32 $0xFFFFD800  }
0x39: {  	[tilespmem:s16], [sflag:$0x1] =	stream.linear.gather [hbm4b:s7+s29], $0x2800, $0x38;
	[tilespmem:$0x1D000] =	vst v63  }
0x3a: {  	_ =	swait.ge [sflag:s15], $0x2800  }
0x3b: {  	[sflag:s15] =	ssyncset.done $0x0  }
0x3c: {  	[sflag:s15] =	ssyncadd.s32 $0xFFFFD800  }
0x3d: {  	s30 =	simm.s32 $0x0;
	[bflag:$0x0] =	sbarrier.arrive $0xFFFF  }
0x3e: {  	[tilespmem:s14], [sflag:$0x1] =	stream.indirect.gather [hbm4b:s2+s17], $0x80, s30, s17, $0xb8;
	[tilespmem:$0x1D000] =	vst v63  }
0x3f: {  	_ =	swait.ge [sflag:s15], $0x4000  }
0x40: {  	[sflag:s15] =	ssyncset.done $0x0  }
0x41: {  	s31 =	simm.s32 $0x2800;
	[sflag:s15] =	ssyncadd.s32 $0xFFFFC000  }
0x42: {  	[spmem:s3] =	stream.indirect.scatter.add.f32 [tilespmem:s14], [sflag:$0x1], $0x80, s31, s17, $0xb8;
	[tilespmem:$0x1D000] =	vst v63  }
0x43: {  	_ =	swait.ge [sflag:s15], $0x4000  }
0x44: {  	s20 =	simm.s32 $0x200;
	s21 =	simm.s32 $0x400;
	[sflag:s15] =	ssyncset.done $0x0  }
.LBB2_4:
0x45: {  	s22 =	sshra.s32 s20, $0x2  }
0x46: {  	[sflag:s15] =	ssyncadd.s32 $0xFFFFC000;
	s20 =	smov.u32 s21;
	s23 =	sadd.s32 $0x200, s21  }
0x47: {  	[tilespmem:s14], [sflag:$0x1] =	stream.indirect.gather [hbm4b:s2+s17], $0x80, s22, s17, $0xb8;
	[tilespmem:$0x1D000] =	vst v63  }
0x48: {  	p0 =	sne.s32 s21, $0x9E00;
	_ =	swait.ge [sflag:s15], $0x4000  }
.Ltmp1:
0x49: {  	[sflag:s15] =	ssyncset.done $0x0;
	(pc) =	sbr.rel @p0 .LBB2_4-.Ltmp1, $4  }
0x4a: {  	s21 =	sadd.s32 $0x2800, s22;
	[sflag:s15] =	ssyncadd.s32 $0xFFFFC000  }
0x4b: {  	[spmem:s3] =	stream.indirect.scatter.add.f32 [tilespmem:s14], [sflag:$0x1], $0x80, s21, s17, $0xb8;
	[tilespmem:$0x1D000] =	vst v63  }
0x4c: {  	_ =	swait.ge [sflag:s15], $0x4000  }
0x4d: {  	s21 =	smov.u32 s23;
	[sflag:s15] =	ssyncset.done $0x0  }
0x4e: {  	s20 =	sshra.s32 s20, $0x2;
	[sflag:s15] =	ssyncadd.s32 $0xFFFFC000  }
0x4f: {  	[tilespmem:s14], [sflag:$0x1] =	stream.indirect.gather [hbm4b:s2+s17], $0x80, s20, s17, $0xb8;
	[tilespmem:$0x1D000] =	vst v63  }
0x50: {  	_ =	swait.ge [sflag:s15], $0x4000  }
0x51: {  	[sflag:s15] =	ssyncset.done $0x0  }
0x52: {  	s20 =	sadd.s32 $0x2800, s20;
	[sflag:s15] =	ssyncadd.s32 $0xFFFFC000  }
0x53: {  	[spmem:s3] =	stream.indirect.scatter.add.f32 [tilespmem:s14], [sflag:$0x1], $0x80, s20, s17, $0xb8;
	[tilespmem:$0x1D000] =	vst v63  }
0x54: {  	_ =	swait.ge [sflag:s15], $0x4000  }
0x55: {  	s4 =	sadd.s32 $0x1, s4;
	[sflag:s15] =	ssyncset.done $0x0  }
0x56: {  	p0 =	sne.s32 s4, s9;
	[sflag:s15] =	ssyncadd.s32 $0xFFFFC000  }
.Ltmp2:
0x57: {  	[bflag:$0x0] =	sbarrier.arrive $0xFFFF;
	(pc) =	sbr.rel @p0 .LBB2_1-.Ltmp2, $4  }
0x58: {  	[hbm:s8], [sflag:s18] =	dma.local [spmem:s19], $0x2800  }
0x59: {  	_ =	swait.ge [sflag:s15], $0x2800  }
0x5a: {  	[sflag:s15] =	ssyncset.done $0x0  }
0x5b: {  	[sflag:s15] =	ssyncadd.s32 $0xFFFFD800  }
0x5c: {  	_ =	sfence.sel $0x180000  }
0x5d: {  	[bflag:$0x0] =	sbarrier.arrive $0xFFFF  }
0x5e: {  	p0 =	sne.s32 s0, $0x0;
	_ =	strace $0x90000050  }
0x5f: {  	s0 =	sadd.s32 @!p0 $0x100000, s1;
	[bflag:$0x2] =	sbarrier.arrive $0xFFFF  }
0x60: {  	[sflag:s0] =	ssyncadd.tile.s32 @!p0 $0x1;
	_ =	shalt  }
.Lfunc_end2:
_tile_overlayer_lowered:
.L_overlay_start_2:
0x61: {  	(tag) =	ssettag $0x2  }
0x62: {  	s0 =	rddreg [dreg:$0x0];
	s2 =	stileid.u32  }
0x63: {  	s1 =	rddreg [dreg:$0x1];
	p0 =	sne.s32 s2, $0x0  }
0x64: {  	s3 =	rddreg [dreg:$0x2];
	[bflag:$0x3] =	sbarrier.arrive $0xFFFF;
	s2 =	simm.s32 @!p0 $0x1C01  }
0x65: {  	[timem:s3], [sflag:s2] =	dma.local @!p0 [hbm:s0], s1  }
0x66: {  	s0 =	simm.s32 @!p0 $0x1  }
0x67: {  	_ =	swait.ge @!p0 [sflag:s0], s1  }
0x68: {  	s1 =	ssub.s32 @!p0 $0x0, s1;
	[sflag:s0] =	ssyncset.done @!p0 $0x0  }
0x69: {  	[sflag:s0] =	ssyncadd.s32 @!p0 s1  }
0x6a: {  	[bflag:$0x3] =	sbarrier.arrive $0xFFFF  }
0x6b: {  	_ =	shalt  }

</sc_bundles>
